<compile_context>
chip_gen: v7x
topology: tpu7x:2x2x1
jax: 0.10.2.dev20260603
libtpu: 0.0.44.dev20260713+nightly
codegen_flags: <defaults>
</compile_context>

<pallas_src>
import functools

import jax
import jax.numpy as jnp
from jax import lax
from jax.experimental import pallas as pl
from jax.experimental.pallas import tpu as pltpu
from jax.experimental.pallas import tpu_sc as plsc

_NC = 2
_NS = 16
_L = 16


def _histogram_kernel(n_pad: int, e: int):
    eph = e // _NS
    sl = n_pad // _NS
    mesh = plsc.VectorSubcoreMesh(core_axis_name="c", subcore_axis_name="s")

    @functools.partial(
        pl.kernel,
        mesh=mesh,
        compiler_params=pltpu.CompilerParams(needs_layout_passes=False),
        out_type=jax.ShapeDtypeStruct((_NC * n_pad,), jnp.float32),
        scratch_types=[
            pltpu.VMEM((eph,), jnp.int32),
            pltpu.VMEM((n_pad,), jnp.int32),
            pltpu.VMEM((_NS, sl), jnp.int32),
            pltpu.VMEM((sl,), jnp.float32),
            pltpu.VMEM((_L,), jnp.float32),
            pltpu.VMEM_SHARED((_NS * n_pad,), jnp.int32),
            pltpu.SemaphoreType.DMA,
        ],
    )
    def hist(pos_hbm, eps_hbm, deg_hbm, idx_v, hist_v, buf_v, acc_v, eps_v,
             shared_v, sem):
        c = lax.axis_index("c")
        s = lax.axis_index("s")
        row = 1 - c

        src = pl.multiple_of(row * e + s * eph, 8)
        idx_dma = pltpu.async_copy(pos_hbm.at[pl.ds(src, eph)], idx_v, sem)
        eps_dma = pltpu.async_copy(eps_hbm, eps_v, sem)

        zero = jnp.zeros((_L,), jnp.int32)

        def zero_body(i, _):
            hist_v[pl.ds(i * _L, _L)] = zero
            return 0

        lax.fori_loop(0, n_pad // _L, zero_body, 0, unroll=8)
        idx_dma.wait()
        eps_dma.wait()

        ones = jnp.ones((_L,), jnp.int32)

        @plsc.parallel_loop(0, eph // _L, unroll=8)
        def _(i):
            idx = idx_v[pl.ds(i * _L, _L)]
            plsc.addupdate_scatter(hist_v, [idx], ones)

        dst = pl.multiple_of(s * n_pad, 8)
        pltpu.sync_copy(hist_v, shared_v.at[pl.ds(dst, n_pad)])
        plsc.subcore_barrier()

        my = pl.multiple_of(s * sl, 8)
        dmas = []
        for t in range(_NS):
            off = pl.multiple_of(t * n_pad + my, 8)
            dmas.append(
                pltpu.async_copy(shared_v.at[pl.ds(off, sl)], buf_v.at[t],
                                 sem))
        for d in dmas:
            d.wait()

        epsv = eps_v[...]

        def red_body(j, _):
            d = pl.ds(j * _L, _L)
            acc = buf_v[0, d]
            for t in range(1, _NS):
                acc = acc + buf_v[t, d]
            acc_v[d] = acc.astype(jnp.float32) + epsv
            return 0

        lax.fori_loop(0, sl // _L, red_body, 0, unroll=4)

        out = pl.multiple_of(c * n_pad + my, 8)
        pltpu.sync_copy(acc_v, deg_hbm.at[pl.ds(out, sl)])

    return hist


def _gather_kernel(n_pad: int, e: int):
    epw = e // (_NC * _NS)
    mesh = plsc.VectorSubcoreMesh(core_axis_name="c", subcore_axis_name="s")

    @functools.partial(
        pl.kernel,
        mesh=mesh,
        compiler_params=pltpu.CompilerParams(needs_layout_passes=False),
        out_type=jax.ShapeDtypeStruct((e,), jnp.float32),
        scratch_types=[
            pltpu.VMEM((n_pad,), jnp.float32),
            pltpu.VMEM((n_pad,), jnp.float32),
            pltpu.VMEM((epw,), jnp.int32),
            pltpu.VMEM((epw,), jnp.int32),
            pltpu.VMEM((epw,), jnp.float32),
            pltpu.SemaphoreType.DMA,
        ],
    )
    def gather(deg_hbm, edge_hbm, out_hbm, din_v, dout_v, tidx_v, hidx_v,
               out_v, sem):
        c = lax.axis_index("c")
        s = lax.axis_index("s")
        wid = s * _NC + c
        base = pl.multiple_of(wid * epw, 8)

        dmas = [
            pltpu.async_copy(deg_hbm.at[pl.ds(0, n_pad)], din_v, sem),
            pltpu.async_copy(deg_hbm.at[pl.ds(n_pad, n_pad)], dout_v, sem),
            pltpu.async_copy(edge_hbm.at[pl.ds(e + base, epw)], tidx_v, sem),
            pltpu.async_copy(edge_hbm.at[pl.ds(base, epw)], hidx_v, sem),
        ]
        for d in dmas:
            d.wait()

        @plsc.parallel_loop(0, epw // _L, unroll=8)
        def _(i):
            d = pl.ds(i * _L, _L)
            a = plsc.load_gather(din_v, [tidx_v[d]])
            b = plsc.load_gather(dout_v, [hidx_v[d]])
            out_v[d] = (2.0 * a * b) / (a + b)

        pltpu.sync_copy(out_v, out_hbm.at[pl.ds(base, epw)])

    return gather


def kernel(z, edge_index, pos_edge_index, eps):
    n = z.shape[0]
    e = edge_index.shape[1]
    n_pad = (n + _NS * _L - 1) // (_NS * _L) * (_NS * _L)
    eps_vec = jnp.full((_L,), eps, jnp.float32)
    pos_flat = pos_edge_index.reshape(-1)
    edge_flat = edge_index.reshape(-1)
    deg = _histogram_kernel(n_pad, e)(pos_flat, eps_vec)
    return _gather_kernel(n_pad, e)(deg, edge_flat)

# --- scband reference (transcript-rebuilt; emitter-appended) ---
"""Pipeline reference for scband-harmonic-degree-sorter-9526237462979 (READ-ONLY COPY).

The authoritative reference and input builder live on the scoring server;
editing this copy changes nothing except your own understanding.
"""

import jax, jax.numpy as jnp
import numpy as np

N = 10000
E = 320000
D = 128


def setup_inputs(seed: int = 0) -> dict:
    key = jax.random.key(seed)
    k1, k2, k3 = jax.random.split(key, 3)
    z = jax.random.normal(k1, (N, D), dtype=jnp.float32)
    edge_index = jax.random.randint(k2, (2, E), 0, N, dtype=jnp.int32)
    pos_edge_index = jax.random.randint(k3, (2, E), 0, N, dtype=jnp.int32)
    return {"z": z, "edge_index": edge_index, "pos_edge_index": pos_edge_index, "eps": jnp.float32(1e-16)}


def reference(z, edge_index, pos_edge_index, eps=1e-16):
    # degree(idx, num_nodes) == histogram/bincount over node ids
    num_nodes = z.shape[0]
    tail_nodes = edge_index[1, :]
    head_nodes = edge_index[0, :]
    in_degrees = jnp.bincount(pos_edge_index[1, :], length=num_nodes).astype(jnp.float32) + eps
    out_degrees = jnp.bincount(pos_edge_index[0, :], length=num_nodes).astype(jnp.float32) + eps
    # harmonic mean of gathered in/out degrees per edge
    return 2.0 / (jnp.power(in_degrees[tail_nodes], -1.0) + jnp.power(out_degrees[head_nodes], -1.0))

if __name__ == "__main__":
    import jax
    _d = setup_inputs()
    print(jax.jit(kernel)(*tuple(_d.values())))

</pallas_src>

<mosaic_0001>
#map = affine_map<(d0, d1) -> (0)>
module attributes {stable_mosaic.version = 14 : i64} {
  func.func @hist(%arg0: i32, %arg1: i32, %arg2: memref<640000xi32, #tpu.memory_space<hbm>>, %arg3: memref<16xf32, #tpu.memory_space<hbm>>, %arg4: memref<20480xf32, #tpu.memory_space<hbm>>, %arg5: memref<20000xi32, #tpu.memory_space<vmem>>, %arg6: memref<10240xi32, #tpu.memory_space<vmem>>, %arg7: memref<16x640xi32, #tpu.memory_space<vmem>>, %arg8: memref<640xf32, #tpu.memory_space<vmem>>, %arg9: memref<16xf32, #tpu.memory_space<vmem>>, %arg10: memref<163840xi32, #tpu.memory_space<vmem_shared>>, %arg11: memref<!tpu.dma_semaphore, #tpu.memory_space<semaphore_mem>>) attributes {dimension_semantics = [#tpu.dimension_semantics<core_parallel>, #tpu.dimension_semantics<subcore_parallel>], iteration_bounds = array<i64: 2, 16>, scalar_prefetch = 0 : i64, scratch_operands = 7 : i64, tpu.core_type = #tpu.core_type<sc_vector_subcore>, window_params = [{transform_indices = #map}, {transform_indices = #map}, {transform_indices = #map}]} {
    %sub3A = arith.constant 1 : i32
    %sub3A_0 = arith.subi %sub3A, %arg0 : i32
    %mul3A = arith.constant 320000 : i32
    %mul3A_1 = arith.muli %sub3A_0, %mul3A : i32
    %mul3A_2 = arith.constant 20000 : i32
    %mul3A_3 = arith.muli %arg1, %mul3A_2 : i32
    %add3A = arith.addi %mul3A_1, %mul3A_3 : i32
    %multiple_of3A = tpu.assume_multiple %add3A, 8 : i32
    %dma_start3A = tpu.memref_slice %arg2[%multiple_of3A] : memref<640000xi32, #tpu.memory_space<hbm>> -> memref<20000xi32, #tpu.memory_space<hbm>>
    %dma_start3A_4 = tpu.memref_slice %arg2[%multiple_of3A] : memref<640000xi32, #tpu.memory_space<hbm>> -> memref<20000xi32, #tpu.memory_space<hbm>>
    tpu.enqueue_dma source(%dma_start3A_4 : memref<20000xi32, #tpu.memory_space<hbm>>) target(%arg5 : memref<20000xi32, #tpu.memory_space<vmem>>) target_semaphore(%arg11 : memref<!tpu.dma_semaphore, #tpu.memory_space<semaphore_mem>>)
    tpu.enqueue_dma source(%arg3 : memref<16xf32, #tpu.memory_space<hbm>>) target(%arg9 : memref<16xf32, #tpu.memory_space<vmem>>) target_semaphore(%arg11 : memref<!tpu.dma_semaphore, #tpu.memory_space<semaphore_mem>>)
    %broadcast_in_dim3A = arith.constant 0 : i32
    %broadcast_in_dim3A_5 = vector.broadcast %broadcast_in_dim3A : i32 to vector<16xi32>
    %scan3A = arith.constant 0 : i32
    %scan3A_6 = arith.constant 0 : i32
    %scan3A_7 = arith.constant 640 : i32
    %scan3A_8 = arith.addi %scan3A_6, %scan3A_7 : i32
    %scan3A_9 = arith.constant 8 : i32
    %scan3A_10 = scf.for %scan3A_371 = %scan3A_6 to %scan3A_8 step %scan3A_9 iter_args(%scan3A_372 = %scan3A) -> (i32)  : i32 {
      %mul3A_373 = arith.constant 16 : i32
      %mul3A_374 = arith.muli %scan3A_371, %mul3A_373 : i32
      %swap3A = arith.index_cast %mul3A_374 : i32 to index
      %swap3A_375 = tpu.vector_load %arg6[%swap3A] {strides = array<i32>} : memref<10240xi32, #tpu.memory_space<vmem>>, vector<16xi32>,
      tpu.vector_store %arg6[%swap3A], %broadcast_in_dim3A_5 {strides = array<i32>} : memref<10240xi32, #tpu.memory_space<vmem>>, vector<16xi32>,
      %scan3A_376 = arith.constant 0 : i32
      %scan3A_377 = arith.constant 1 : i32
      %scan3A_378 = arith.addi %scan3A_371, %scan3A_377 : i32
      %mul3A_379 = arith.constant 16 : i32
      %mul3A_380 = arith.muli %scan3A_378, %mul3A_379 : i32
      %swap3A_381 = arith.index_cast %mul3A_380 : i32 to index
      %swap3A_382 = tpu.vector_load %arg6[%swap3A_381] {strides = array<i32>} : memref<10240xi32, #tpu.memory_space<vmem>>, vector<16xi32>,
      tpu.vector_store %arg6[%swap3A_381], %broadcast_in_dim3A_5 {strides = array<i32>} : memref<10240xi32, #tpu.memory_space<vmem>>, vector<16xi32>,
      %scan3A_383 = arith.constant 0 : i32
      %scan3A_384 = arith.constant 2 : i32
      %scan3A_385 = arith.addi %scan3A_371, %scan3A_384 : i32
      %mul3A_386 = arith.constant 16 : i32
      %mul3A_387 = arith.muli %scan3A_385, %mul3A_386 : i32
      %swap3A_388 = arith.index_cast %mul3A_387 : i32 to index
      %swap3A_389 = tpu.vector_load %arg6[%swap3A_388] {strides = array<i32>} : memref<10240xi32, #tpu.memory_space<vmem>>, vector<16xi32>,
      tpu.vector_store %arg6[%swap3A_388], %broadcast_in_dim3A_5 {strides = array<i32>} : memref<10240xi32, #tpu.memory_space<vmem>>, vector<16xi32>,
      %scan3A_390 = arith.constant 0 : i32
      %scan3A_391 = arith.constant 3 : i32
      %scan3A_392 = arith.addi %scan3A_371, %scan3A_391 : i32
      %mul3A_393 = arith.constant 16 : i32
      %mul3A_394 = arith.muli %scan3A_392, %mul3A_393 : i32
      %swap3A_395 = arith.index_cast %mul3A_394 : i32 to index
      %swap3A_396 = tpu.vector_load %arg6[%swap3A_395] {strides = array<i32>} : memref<10240xi32, #tpu.memory_space<vmem>>, vector<16xi32>,
      tpu.vector_store %arg6[%swap3A_395], %broadcast_in_dim3A_5 {strides = array<i32>} : memref<10240xi32, #tpu.memory_space<vmem>>, vector<16xi32>,
      %scan3A_397 = arith.constant 0 : i32
      %scan3A_398 = arith.constant 4 : i32
      %scan3A_399 = arith.addi %scan3A_371, %scan3A_398 : i32
      %mul3A_400 = arith.constant 16 : i32
      %mul3A_401 = arith.muli %scan3A_399, %mul3A_400 : i32
      %swap3A_402 = arith.index_cast %mul3A_401 : i32 to index
      %swap3A_403 = tpu.vector_load %arg6[%swap3A_402] {strides = array<i32>} : memref<10240xi32, #tpu.memory_space<vmem>>, vector<16xi32>,
      tpu.vector_store %arg6[%swap3A_402], %broadcast_in_dim3A_5 {strides = array<i32>} : memref<10240xi32, #tpu.memory_space<vmem>>, vector<16xi32>,
      %scan3A_404 = arith.constant 0 : i32
      %scan3A_405 = arith.constant 5 : i32
      %scan3A_406 = arith.addi %scan3A_371, %scan3A_405 : i32
      %mul3A_407 = arith.constant 16 : i32
      %mul3A_408 = arith.muli %scan3A_406, %mul3A_407 : i32
      %swap3A_409 = arith.index_cast %mul3A_408 : i32 to index
      %swap3A_410 = tpu.vector_load %arg6[%swap3A_409] {strides = array<i32>} : memref<10240xi32, #tpu.memory_space<vmem>>, vector<16xi32>,
      tpu.vector_store %arg6[%swap3A_409], %broadcast_in_dim3A_5 {strides = array<i32>} : memref<10240xi32, #tpu.memory_space<vmem>>, vector<16xi32>,
      %scan3A_411 = arith.constant 0 : i32
      %scan3A_412 = arith.constant 6 : i32
      %scan3A_413 = arith.addi %scan3A_371, %scan3A_412 : i32
      %mul3A_414 = arith.constant 16 : i32
      %mul3A_415 = arith.muli %scan3A_413, %mul3A_414 : i32
      %swap3A_416 = arith.index_cast %mul3A_415 : i32 to index
      %swap3A_417 = tpu.vector_load %arg6[%swap3A_416] {strides = array<i32>} : memref<10240xi32, #tpu.memory_space<vmem>>, vector<16xi32>,
      tpu.vector_store %arg6[%swap3A_416], %broadcast_in_dim3A_5 {strides = array<i32>} : memref<10240xi32, #tpu.memory_space<vmem>>, vector<16xi32>,
      %scan3A_418 = arith.constant 0 : i32
      %scan3A_419 = arith.constant 7 : i32
      %scan3A_420 = arith.addi %scan3A_371, %scan3A_419 : i32
      %mul3A_421 = arith.constant 16 : i32
      %mul3A_422 = arith.muli %scan3A_420, %mul3A_421 : i32
      %swap3A_423 = arith.index_cast %mul3A_422 : i32 to index
      %swap3A_424 = tpu.vector_load %arg6[%swap3A_423] {strides = array<i32>} : memref<10240xi32, #tpu.memory_space<vmem>>, vector<16xi32>,
      tpu.vector_store %arg6[%swap3A_423], %broadcast_in_dim3A_5 {strides = array<i32>} : memref<10240xi32, #tpu.memory_space<vmem>>, vector<16xi32>,
      %scan3A_425 = arith.constant 0 : i32
      scf.yield %scan3A_425 : i32
    }
    %scan3A_11 = arith.constant 640 : i32
    %dma_wait3A = tpu.memref_slice %arg2[%multiple_of3A] : memref<640000xi32, #tpu.memory_space<hbm>> -> memref<20000xi32, #tpu.memory_space<hbm>>
    %dma_wait3A_12 = tpu.memref_slice %arg2[%multiple_of3A] : memref<640000xi32, #tpu.memory_space<hbm>> -> memref<20000xi32, #tpu.memory_space<hbm>>
    tpu.wait_dma2 semaphore(%arg11 : memref<!tpu.dma_semaphore, #tpu.memory_space<semaphore_mem>>) src(%dma_wait3A_12 : memref<20000xi32, #tpu.memory_space<hbm>>) dst(%arg5 : memref<20000xi32, #tpu.memory_space<vmem>>)
    tpu.wait_dma2 semaphore(%arg11 : memref<!tpu.dma_semaphore, #tpu.memory_space<semaphore_mem>>) src(%arg3 : memref<16xf32, #tpu.memory_space<hbm>>) dst(%arg9 : memref<16xf32, #tpu.memory_space<vmem>>)
    %broadcast_in_dim3A_13 = arith.constant 1 : i32
    %broadcast_in_dim3A_14 = vector.broadcast %broadcast_in_dim3A_13 : i32 to vector<16xi32>
    %parallel_loop3A = arith.constant 0 : i32
    %parallel_loop3A_15 = arith.constant 1250 : i32
    %parallel_loop3A_16 = arith.constant 1 : i32
    scf.for %parallel_loop3A_371 = %parallel_loop3A to %parallel_loop3A_15 step %parallel_loop3A_16  : i32 {
      %parallel_loop3A_372 = arith.constant 16 : i32
      %parallel_loop3A_373 = arith.muli %parallel_loop3A_371, %parallel_loop3A_372 : i32
      %parallel_loop3A_374 = arith.index_cast %parallel_loop3A_373 : i32 to index
      %parallel_loop3A_375 = tpu.vector_load %arg5[%parallel_loop3A_374] {strides = array<i32>} : memref<20000xi32, #tpu.memory_space<vmem>>, vector<16xi32>,
      tpu.vector_store_idx %arg6[%parallel_loop3A_375], %broadcast_in_dim3A_14 {add = true} : memref<10240xi32, #tpu.memory_space<vmem>>[vector<16xi32>], vector<16xi32>,
    } {sc.loop_unroll_factor = 8 : i64, sc.parallel_access}
    %mul3A_17 = arith.constant 10240 : i32
    %mul3A_18 = arith.muli %arg1, %mul3A_17 : i32
    %multiple_of3A_19 = tpu.assume_multiple %mul3A_18, 8 : i32
    "tpu.region"() ({
      %run_scoped3A = tpu.sem_alloc : memref<!tpu.dma_semaphore, #tpu.memory_space<semaphore_mem>>
      %dma_start3A_371 = tpu.memref_slice %arg10[%multiple_of3A_19] : memref<163840xi32, #tpu.memory_space<vmem_shared>> -> memref<10240xi32, #tpu.memory_space<vmem_shared>>
      %dma_start3A_372 = tpu.memref_slice %arg10[%multiple_of3A_19] : memref<163840xi32, #tpu.memory_space<vmem_shared>> -> memref<10240xi32, #tpu.memory_space<vmem_shared>>
      tpu.enqueue_dma source(%arg6 : memref<10240xi32, #tpu.memory_space<vmem>>) target(%dma_start3A_372 : memref<10240xi32, #tpu.memory_space<vmem_shared>>) target_semaphore(%run_scoped3A : memref<!tpu.dma_semaphore, #tpu.memory_space<semaphore_mem>>)
      %dma_wait3A_373 = tpu.memref_slice %arg10[%multiple_of3A_19] : memref<163840xi32, #tpu.memory_space<vmem_shared>> -> memref<10240xi32, #tpu.memory_space<vmem_shared>>
      %dma_wait3A_374 = tpu.memref_slice %arg10[%multiple_of3A_19] : memref<163840xi32, #tpu.memory_space<vmem_shared>> -> memref<10240xi32, #tpu.memory_space<vmem_shared>>
      tpu.wait_dma2 semaphore(%run_scoped3A : memref<!tpu.dma_semaphore, #tpu.memory_space<semaphore_mem>>) src(%arg6 : memref<10240xi32, #tpu.memory_space<vmem>>) dst(%dma_wait3A_374 : memref<10240xi32, #tpu.memory_space<vmem_shared>>)
      tpu.yield
    }) : () -> ()
    %barrier3A = arith.constant 0 : index
    tpu.barrier barrier_id(%barrier3A)
    %mul3A_20 = arith.constant 640 : i32
    %mul3A_21 = arith.muli %arg1, %mul3A_20 : i32
    %multiple_of3A_22 = tpu.assume_multiple %mul3A_21, 8 : i32
    %add3A_23 = arith.constant 0 : i32
    %add3A_24 = arith.addi %add3A_23, %multiple_of3A_22 : i32
    %multiple_of3A_25 = tpu.assume_multiple %add3A_24, 8 : i32
    %dma_start3A_26 = arith.constant 0 : i32
    %dma_start3A_27 = arith.constant 0 : i32
    %dma_start3A_28 = tpu.memref_slice %arg7[%dma_start3A_26, %dma_start3A_27] : memref<16x640xi32, #tpu.memory_space<vmem>> -> memref<1x640xi32, #tpu.memory_space<vmem>>
    %dma_start3A_29 = tpu.memref_squeeze %dma_start3A_28 : memref<1x640xi32, #tpu.memory_space<vmem>> -> memref<640xi32, #tpu.memory_space<vmem>>
    %dma_start3A_30 = tpu.memref_slice %arg10[%multiple_of3A_25] : memref<163840xi32, #tpu.memory_space<vmem_shared>> -> memref<640xi32, #tpu.memory_space<vmem_shared>>
    %dma_start3A_31 = arith.constant 0 : i32
    %dma_start3A_32 = tpu.memref_slice %arg7[%dma_start3A_26, %dma_start3A_31] : memref<16x640xi32, #tpu.memory_space<vmem>> -> memref<1x640xi32, #tpu.memory_space<vmem>>
    %dma_start3A_33 = tpu.memref_squeeze %dma_start3A_32 : memref<1x640xi32, #tpu.memory_space<vmem>> -> memref<640xi32, #tpu.memory_space<vmem>>
    %dma_start3A_34 = tpu.memref_slice %arg10[%multiple_of3A_25] : memref<163840xi32, #tpu.memory_space<vmem_shared>> -> memref<640xi32, #tpu.memory_space<vmem_shared>>
    tpu.enqueue_dma source(%dma_start3A_34 : memref<640xi32, #tpu.memory_space<vmem_shared>>) target(%dma_start3A_33 : memref<640xi32, #tpu.memory_space<vmem>>) target_semaphore(%arg11 : memref<!tpu.dma_semaphore, #tpu.memory_space<semaphore_mem>>)
    %add3A_35 = arith.constant 10240 : i32
    %add3A_36 = arith.addi %add3A_35, %multiple_of3A_22 : i32
    %multiple_of3A_37 = tpu.assume_multiple %add3A_36, 8 : i32
    %dma_start3A_38 = arith.constant 1 : i32
    %dma_start3A_39 = arith.constant 0 : i32
    %dma_start3A_40 = tpu.memref_slice %arg7[%dma_start3A_38, %dma_start3A_39] : memref<16x640xi32, #tpu.memory_space<vmem>> -> memref<1x640xi32, #tpu.memory_space<vmem>>
    %dma_start3A_41 = tpu.memref_squeeze %dma_start3A_40 : memref<1x640xi32, #tpu.memory_space<vmem>> -> memref<640xi32, #tpu.memory_space<vmem>>
    %dma_start3A_42 = tpu.memref_slice %arg10[%multiple_of3A_37] : memref<163840xi32, #tpu.memory_space<vmem_shared>> -> memref<640xi32, #tpu.memory_space<vmem_shared>>
    %dma_start3A_43 = arith.constant 0 : i32
    %dma_start3A_44 = tpu.memref_slice %arg7[%dma_start3A_38, %dma_start3A_43] : memref<16x640xi32, #tpu.memory_space<vmem>> -> memref<1x640xi32, #tpu.memory_space<vmem>>
    %dma_start3A_45 = tpu.memref_squeeze %dma_start3A_44 : memref<1x640xi32, #tpu.memory_space<vmem>> -> memref<640xi32, #tpu.memory_space<vmem>>
    %dma_start3A_46 = tpu.memref_slice %arg10[%multiple_of3A_37] : memref<163840xi32, #tpu.memory_space<vmem_shared>> -> memref<640xi32, #tpu.memory_space<vmem_shared>>
    tpu.enqueue_dma source(%dma_start3A_46 : memref<640xi32, #tpu.memory_space<vmem_shared>>) target(%dma_start3A_45 : memref<640xi32, #tpu.memory_space<vmem>>) target_semaphore(%arg11 : memref<!tpu.dma_semaphore, #tpu.memory_space<semaphore_mem>>)
    %add3A_47 = arith.constant 20480 : i32
    %add3A_48 = arith.addi %add3A_47, %multiple_of3A_22 : i32
    %multiple_of3A_49 = tpu.assume_multiple %add3A_48, 8 : i32
    %dma_start3A_50 = arith.constant 2 : i32
    %dma_start3A_51 = arith.constant 0 : i32
    %dma_start3A_52 = tpu.memref_slice %arg7[%dma_start3A_50, %dma_start3A_51] : memref<16x640xi32, #tpu.memory_space<vmem>> -> memref<1x640xi32, #tpu.memory_space<vmem>>
    %dma_start3A_53 = tpu.memref_squeeze %dma_start3A_52 : memref<1x640xi32, #tpu.memory_space<vmem>> -> memref<640xi32, #tpu.memory_space<vmem>>
    %dma_start3A_54 = tpu.memref_slice %arg10[%multiple_of3A_49] : memref<163840xi32, #tpu.memory_space<vmem_shared>> -> memref<640xi32, #tpu.memory_space<vmem_shared>>
    %dma_start3A_55 = arith.constant 0 : i32
    %dma_start3A_56 = tpu.memref_slice %arg7[%dma_start3A_50, %dma_start3A_55] : memref<16x640xi32, #tpu.memory_space<vmem>> -> memref<1x640xi32, #tpu.memory_space<vmem>>
    %dma_start3A_57 = tpu.memref_squeeze %dma_start3A_56 : memref<1x640xi32, #tpu.memory_space<vmem>> -> memref<640xi32, #tpu.memory_space<vmem>>
    %dma_start3A_58 = tpu.memref_slice %arg10[%multiple_of3A_49] : memref<163840xi32, #tpu.memory_space<vmem_shared>> -> memref<640xi32, #tpu.memory_space<vmem_shared>>
    tpu.enqueue_dma source(%dma_start3A_58 : memref<640xi32, #tpu.memory_space<vmem_shared>>) target(%dma_start3A_57 : memref<640xi32, #tpu.memory_space<vmem>>) target_semaphore(%arg11 : memref<!tpu.dma_semaphore, #tpu.memory_space<semaphore_mem>>)
    %add3A_59 = arith.constant 30720 : i32
    %add3A_60 = arith.addi %add3A_59, %multiple_of3A_22 : i32
    %multiple_of3A_61 = tpu.assume_multiple %add3A_60, 8 : i32
    %dma_start3A_62 = arith.constant 3 : i32
    %dma_start3A_63 = arith.constant 0 : i32
    %dma_start3A_64 = tpu.memref_slice %arg7[%dma_start3A_62, %dma_start3A_63] : memref<16x640xi32, #tpu.memory_space<vmem>> -> memref<1x640xi32, #tpu.memory_space<vmem>>
    %dma_start3A_65 = tpu.memref_squeeze %dma_start3A_64 : memref<1x640xi32, #tpu.memory_space<vmem>> -> memref<640xi32, #tpu.memory_space<vmem>>
    %dma_start3A_66 = tpu.memref_slice %arg10[%multiple_of3A_61] : memref<163840xi32, #tpu.memory_space<vmem_shared>> -> memref<640xi32, #tpu.memory_space<vmem_shared>>
    %dma_start3A_67 = arith.constant 0 : i32
    %dma_start3A_68 = tpu.memref_slice %arg7[%dma_start3A_62, %dma_start3A_67] : memref<16x640xi32, #tpu.memory_space<vmem>> -> memref<1x640xi32, #tpu.memory_space<vmem>>
    %dma_start3A_69 = tpu.memref_squeeze %dma_start3A_68 : memref<1x640xi32, #tpu.memory_space<vmem>> -> memref<640xi32, #tpu.memory_space<vmem>>
    %dma_start3A_70 = tpu.memref_slice %arg10[%multiple_of3A_61] : memref<163840xi32, #tpu.memory_space<vmem_shared>> -> memref<640xi32, #tpu.memory_space<vmem_shared>>
    tpu.enqueue_dma source(%dma_start3A_70 : memref<640xi32, #tpu.memory_space<vmem_shared>>) target(%dma_start3A_69 : memref<640xi32, #tpu.memory_space<vmem>>) target_semaphore(%arg11 : memref<!tpu.dma_semaphore, #tpu.memory_space<semaphore_mem>>)
    %add3A_71 = arith.constant 40960 : i32
    %add3A_72 = arith.addi %add3A_71, %multiple_of3A_22 : i32
    %multiple_of3A_73 = tpu.assume_multiple %add3A_72, 8 : i32
    %dma_start3A_74 = arith.constant 4 : i32
    %dma_start3A_75 = arith.constant 0 : i32
    %dma_start3A_76 = tpu.memref_slice %arg7[%dma_start3A_74, %dma_start3A_75] : memref<16x640xi32, #tpu.memory_space<vmem>> -> memref<1x640xi32, #tpu.memory_space<vmem>>
    %dma_start3A_77 = tpu.memref_squeeze %dma_start3A_76 : memref<1x640xi32, #tpu.memory_space<vmem>> -> memref<640xi32, #tpu.memory_space<vmem>>
    %dma_start3A_78 = tpu.memref_slice %arg10[%multiple_of3A_73] : memref<163840xi32, #tpu.memory_space<vmem_shared>> -> memref<640xi32, #tpu.memory_space<vmem_shared>>
    %dma_start3A_79 = arith.constant 0 : i32
    %dma_start3A_80 = tpu.memref_slice %arg7[%dma_start3A_74, %dma_start3A_79] : memref<16x640xi32, #tpu.memory_space<vmem>> -> memref<1x640xi32, #tpu.memory_space<vmem>>
    %dma_start3A_81 = tpu.memref_squeeze %dma_start3A_80 : memref<1x640xi32, #tpu.memory_space<vmem>> -> memref<640xi32, #tpu.memory_space<vmem>>
    %dma_start3A_82 = tpu.memref_slice %arg10[%multiple_of3A_73] : memref<163840xi32, #tpu.memory_space<vmem_shared>> -> memref<640xi32, #tpu.memory_space<vmem_shared>>
    tpu.enqueue_dma source(%dma_start3A_82 : memref<640xi32, #tpu.memory_space<vmem_shared>>) target(%dma_start3A_81 : memref<640xi32, #tpu.memory_space<vmem>>) target_semaphore(%arg11 : memref<!tpu.dma_semaphore, #tpu.memory_space<semaphore_mem>>)
    %add3A_83 = arith.constant 51200 : i32
    %add3A_84 = arith.addi %add3A_83, %multiple_of3A_22 : i32
    %multiple_of3A_85 = tpu.assume_multiple %add3A_84, 8 : i32
    %dma_start3A_86 = arith.constant 5 : i32
    %dma_start3A_87 = arith.constant 0 : i32
    %dma_start3A_88 = tpu.memref_slice %arg7[%dma_start3A_86, %dma_start3A_87] : memref<16x640xi32, #tpu.memory_space<vmem>> -> memref<1x640xi32, #tpu.memory_space<vmem>>
    %dma_start3A_89 = tpu.memref_squeeze %dma_start3A_88 : memref<1x640xi32, #tpu.memory_space<vmem>> -> memref<640xi32, #tpu.memory_space<vmem>>
    %dma_start3A_90 = tpu.memref_slice %arg10[%multiple_of3A_85] : memref<163840xi32, #tpu.memory_space<vmem_shared>> -> memref<640xi32, #tpu.memory_space<vmem_shared>>
    %dma_start3A_91 = arith.constant 0 : i32
    %dma_start3A_92 = tpu.memref_slice %arg7[%dma_start3A_86, %dma_start3A_91] : memref<16x640xi32, #tpu.memory_space<vmem>> -> memref<1x640xi32, #tpu.memory_space<vmem>>
    %dma_start3A_93 = tpu.memref_squeeze %dma_start3A_92 : memref<1x640xi32, #tpu.memory_space<vmem>> -> memref<640xi32, #tpu.memory_space<vmem>>
    %dma_start3A_94 = tpu.memref_slice %arg10[%multiple_of3A_85] : memref<163840xi32, #tpu.memory_space<vmem_shared>> -> memref<640xi32, #tpu.memory_space<vmem_shared>>
    tpu.enqueue_dma source(%dma_start3A_94 : memref<640xi32, #tpu.memory_space<vmem_shared>>) target(%dma_start3A_93 : memref<640xi32, #tpu.memory_space<vmem>>) target_semaphore(%arg11 : memref<!tpu.dma_semaphore, #tpu.memory_space<semaphore_mem>>)
    %add3A_95 = arith.constant 61440 : i32
    %add3A_96 = arith.addi %add3A_95, %multiple_of3A_22 : i32
    %multiple_of3A_97 = tpu.assume_multiple %add3A_96, 8 : i32
    %dma_start3A_98 = arith.constant 6 : i32
    %dma_start3A_99 = arith.constant 0 : i32
    %dma_start3A_100 = tpu.memref_slice %arg7[%dma_start3A_98, %dma_start3A_99] : memref<16x640xi32, #tpu.memory_space<vmem>> -> memref<1x640xi32, #tpu.memory_space<vmem>>
    %dma_start3A_101 = tpu.memref_squeeze %dma_start3A_100 : memref<1x640xi32, #tpu.memory_space<vmem>> -> memref<640xi32, #tpu.memory_space<vmem>>
    %dma_start3A_102 = tpu.memref_slice %arg10[%multiple_of3A_97] : memref<163840xi32, #tpu.memory_space<vmem_shared>> -> memref<640xi32, #tpu.memory_space<vmem_shared>>
    %dma_start3A_103 = arith.constant 0 : i32
    %dma_start3A_104 = tpu.memref_slice %arg7[%dma_start3A_98, %dma_start3A_103] : memref<16x640xi32, #tpu.memory_space<vmem>> -> memref<1x640xi32, #tpu.memory_space<vmem>>
    %dma_start3A_105 = tpu.memref_squeeze %dma_start3A_104 : memref<1x640xi32, #tpu.memory_space<vmem>> -> memref<640xi32, #tpu.memory_space<vmem>>
    %dma_start3A_106 = tpu.memref_slice %arg10[%multiple_of3A_97] : memref<163840xi32, #tpu.memory_space<vmem_shared>> -> memref<640xi32, #tpu.memory_space<vmem_shared>>
    tpu.enqueue_dma source(%dma_start3A_106 : memref<640xi32, #tpu.memory_space<vmem_shared>>) target(%dma_start3A_105 : memref<640xi32, #tpu.memory_space<vmem>>) target_semaphore(%arg11 : memref<!tpu.dma_semaphore, #tpu.memory_space<semaphore_mem>>)
    %add3A_107 = arith.constant 71680 : i32
    %add3A_108 = arith.addi %add3A_107, %multiple_of3A_22 : i32
    %multiple_of3A_109 = tpu.assume_multiple %add3A_108, 8 : i32
    %dma_start3A_110 = arith.constant 7 : i32
    %dma_start3A_111 = arith.constant 0 : i32
    %dma_start3A_112 = tpu.memref_slice %arg7[%dma_start3A_110, %dma_start3A_111] : memref<16x640xi32, #tpu.memory_space<vmem>> -> memref<1x640xi32, #tpu.memory_space<vmem>>
    %dma_start3A_113 = tpu.memref_squeeze %dma_start3A_112 : memref<1x640xi32, #tpu.memory_space<vmem>> -> memref<640xi32, #tpu.memory_space<vmem>>
    %dma_start3A_114 = tpu.memref_slice %arg10[%multiple_of3A_109] : memref<163840xi32, #tpu.memory_space<vmem_shared>> -> memref<640xi32, #tpu.memory_space<vmem_shared>>
    %dma_start3A_115 = arith.constant 0 : i32
    %dma_start3A_116 = tpu.memref_slice %arg7[%dma_start3A_110, %dma_start3A_115] : memref<16x640xi32, #tpu.memory_space<vmem>> -> memref<1x640xi32, #tpu.memory_space<vmem>>
    %dma_start3A_117 = tpu.memref_squeeze %dma_start3A_116 : memref<1x640xi32, #tpu.memory_space<vmem>> -> memref<640xi32, #tpu.memory_space<vmem>>
    %dma_start3A_118 = tpu.memref_slice %arg10[%multiple_of3A_109] : memref<163840xi32, #tpu.memory_space<vmem_shared>> -> memref<640xi32, #tpu.memory_space<vmem_shared>>
    tpu.enqueue_dma source(%dma_start3A_118 : memref<640xi32, #tpu.memory_space<vmem_shared>>) target(%dma_start3A_117 : memref<640xi32, #tpu.memory_space<vmem>>) target_semaphore(%arg11 : memref<!tpu.dma_semaphore, #tpu.memory_space<semaphore_mem>>)
    %add3A_119 = arith.constant 81920 : i32
    %add3A_120 = arith.addi %add3A_119, %multiple_of3A_22 : i32
    %multiple_of3A_121 = tpu.assume_multiple %add3A_120, 8 : i32
    %dma_start3A_122 = arith.constant 8 : i32
    %dma_start3A_123 = arith.constant 0 : i32
    %dma_start3A_124 = tpu.memref_slice %arg7[%dma_start3A_122, %dma_start3A_123] : memref<16x640xi32, #tpu.memory_space<vmem>> -> memref<1x640xi32, #tpu.memory_space<vmem>>
    %dma_start3A_125 = tpu.memref_squeeze %dma_start3A_124 : memref<1x640xi32, #tpu.memory_space<vmem>> -> memref<640xi32, #tpu.memory_space<vmem>>
    %dma_start3A_126 = tpu.memref_slice %arg10[%multiple_of3A_121] : memref<163840xi32, #tpu.memory_space<vmem_shared>> -> memref<640xi32, #tpu.memory_space<vmem_shared>>
    %dma_start3A_127 = arith.constant 0 : i32
    %dma_start3A_128 = tpu.memref_slice %arg7[%dma_start3A_122, %dma_start3A_127] : memref<16x640xi32, #tpu.memory_space<vmem>> -> memref<1x640xi32, #tpu.memory_space<vmem>>
    %dma_start3A_129 = tpu.memref_squeeze %dma_start3A_128 : memref<1x640xi32, #tpu.memory_space<vmem>> -> memref<640xi32, #tpu.memory_space<vmem>>
    %dma_start3A_130 = tpu.memref_slice %arg10[%multiple_of3A_121] : memref<163840xi32, #tpu.memory_space<vmem_shared>> -> memref<640xi32, #tpu.memory_space<vmem_shared>>
    tpu.enqueue_dma source(%dma_start3A_130 : memref<640xi32, #tpu.memory_space<vmem_shared>>) target(%dma_start3A_129 : memref<640xi32, #tpu.memory_space<vmem>>) target_semaphore(%arg11 : memref<!tpu.dma_semaphore, #tpu.memory_space<semaphore_mem>>)
    %add3A_131 = arith.constant 92160 : i32
    %add3A_132 = arith.addi %add3A_131, %multiple_of3A_22 : i32
    %multiple_of3A_133 = tpu.assume_multiple %add3A_132, 8 : i32
    %dma_start3A_134 = arith.constant 9 : i32
    %dma_start3A_135 = arith.constant 0 : i32
    %dma_start3A_136 = tpu.memref_slice %arg7[%dma_start3A_134, %dma_start3A_135] : memref<16x640xi32, #tpu.memory_space<vmem>> -> memref<1x640xi32, #tpu.memory_space<vmem>>
    %dma_start3A_137 = tpu.memref_squeeze %dma_start3A_136 : memref<1x640xi32, #tpu.memory_space<vmem>> -> memref<640xi32, #tpu.memory_space<vmem>>
    %dma_start3A_138 = tpu.memref_slice %arg10[%multiple_of3A_133] : memref<163840xi32, #tpu.memory_space<vmem_shared>> -> memref<640xi32, #tpu.memory_space<vmem_shared>>
    %dma_start3A_139 = arith.constant 0 : i32
    %dma_start3A_140 = tpu.memref_slice %arg7[%dma_start3A_134, %dma_start3A_139] : memref<16x640xi32, #tpu.memory_space<vmem>> -> memref<1x640xi32, #tpu.memory_space<vmem>>
    %dma_start3A_141 = tpu.memref_squeeze %dma_start3A_140 : memref<1x640xi32, #tpu.memory_space<vmem>> -> memref<640xi32, #tpu.memory_space<vmem>>
    %dma_start3A_142 = tpu.memref_slice %arg10[%multiple_of3A_133] : memref<163840xi32, #tpu.memory_space<vmem_shared>> -> memref<640xi32, #tpu.memory_space<vmem_shared>>
    tpu.enqueue_dma source(%dma_start3A_142 : memref<640xi32, #tpu.memory_space<vmem_shared>>) target(%dma_start3A_141 : memref<640xi32, #tpu.memory_space<vmem>>) target_semaphore(%arg11 : memref<!tpu.dma_semaphore, #tpu.memory_space<semaphore_mem>>)
    %add3A_143 = arith.constant 102400 : i32
    %add3A_144 = arith.addi %add3A_143, %multiple_of3A_22 : i32
    %multiple_of3A_145 = tpu.assume_multiple %add3A_144, 8 : i32
    %dma_start3A_146 = arith.constant 10 : i32
    %dma_start3A_147 = arith.constant 0 : i32
    %dma_start3A_148 = tpu.memref_slice %arg7[%dma_start3A_146, %dma_start3A_147] : memref<16x640xi32, #tpu.memory_space<vmem>> -> memref<1x640xi32, #tpu.memory_space<vmem>>
    %dma_start3A_149 = tpu.memref_squeeze %dma_start3A_148 : memref<1x640xi32, #tpu.memory_space<vmem>> -> memref<640xi32, #tpu.memory_space<vmem>>
    %dma_start3A_150 = tpu.memref_slice %arg10[%multiple_of3A_145] : memref<163840xi32, #tpu.memory_space<vmem_shared>> -> memref<640xi32, #tpu.memory_space<vmem_shared>>
    %dma_start3A_151 = arith.constant 0 : i32
    %dma_start3A_152 = tpu.memref_slice %arg7[%dma_start3A_146, %dma_start3A_151] : memref<16x640xi32, #tpu.memory_space<vmem>> -> memref<1x640xi32, #tpu.memory_space<vmem>>
    %dma_start3A_153 = tpu.memref_squeeze %dma_start3A_152 : memref<1x640xi32, #tpu.memory_space<vmem>> -> memref<640xi32, #tpu.memory_space<vmem>>
    %dma_start3A_154 = tpu.memref_slice %arg10[%multiple_of3A_145] : memref<163840xi32, #tpu.memory_space<vmem_shared>> -> memref<640xi32, #tpu.memory_space<vmem_shared>>
    tpu.enqueue_dma source(%dma_start3A_154 : memref<640xi32, #tpu.memory_space<vmem_shared>>) target(%dma_start3A_153 : memref<640xi32, #tpu.memory_space<vmem>>) target_semaphore(%arg11 : memref<!tpu.dma_semaphore, #tpu.memory_space<semaphore_mem>>)
    %add3A_155 = arith.constant 112640 : i32
    %add3A_156 = arith.addi %add3A_155, %multiple_of3A_22 : i32
    %multiple_of3A_157 = tpu.assume_multiple %add3A_156, 8 : i32
    %dma_start3A_158 = arith.constant 11 : i32
    %dma_start3A_159 = arith.constant 0 : i32
    %dma_start3A_160 = tpu.memref_slice %arg7[%dma_start3A_158, %dma_start3A_159] : memref<16x640xi32, #tpu.memory_space<vmem>> -> memref<1x640xi32, #tpu.memory_space<vmem>>
    %dma_start3A_161 = tpu.memref_squeeze %dma_start3A_160 : memref<1x640xi32, #tpu.memory_space<vmem>> -> memref<640xi32, #tpu.memory_space<vmem>>
    %dma_start3A_162 = tpu.memref_slice %arg10[%multiple_of3A_157] : memref<163840xi32, #tpu.memory_space<vmem_shared>> -> memref<640xi32, #tpu.memory_space<vmem_shared>>
    %dma_start3A_163 = arith.constant 0 : i32
    %dma_start3A_164 = tpu.memref_slice %arg7[%dma_start3A_158, %dma_start3A_163] : memref<16x640xi32, #tpu.memory_space<vmem>> -> memref<1x640xi32, #tpu.memory_space<vmem>>
    %dma_start3A_165 = tpu.memref_squeeze %dma_start3A_164 : memref<1x640xi32, #tpu.memory_space<vmem>> -> memref<640xi32, #tpu.memory_space<vmem>>
    %dma_start3A_166 = tpu.memref_slice %arg10[%multiple_of3A_157] : memref<163840xi32, #tpu.memory_space<vmem_shared>> -> memref<640xi32, #tpu.memory_space<vmem_shared>>
    tpu.enqueue_dma source(%dma_start3A_166 : memref<640xi32, #tpu.memory_space<vmem_shared>>) target(%dma_start3A_165 : memref<640xi32, #tpu.memory_space<vmem>>) target_semaphore(%arg11 : memref<!tpu.dma_semaphore, #tpu.memory_space<semaphore_mem>>)
    %add3A_167 = arith.constant 122880 : i32
    %add3A_168 = arith.addi %add3A_167, %multiple_of3A_22 : i32
    %multiple_of3A_169 = tpu.assume_multiple %add3A_168, 8 : i32
    %dma_start3A_170 = arith.constant 12 : i32
    %dma_start3A_171 = arith.constant 0 : i32
    %dma_start3A_172 = tpu.memref_slice %arg7[%dma_start3A_170, %dma_start3A_171] : memref<16x640xi32, #tpu.memory_space<vmem>> -> memref<1x640xi32, #tpu.memory_space<vmem>>
    %dma_start3A_173 = tpu.memref_squeeze %dma_start3A_172 : memref<1x640xi32, #tpu.memory_space<vmem>> -> memref<640xi32, #tpu.memory_space<vmem>>
    %dma_start3A_174 = tpu.memref_slice %arg10[%multiple_of3A_169] : memref<163840xi32, #tpu.memory_space<vmem_shared>> -> memref<640xi32, #tpu.memory_space<vmem_shared>>
    %dma_start3A_175 = arith.constant 0 : i32
    %dma_start3A_176 = tpu.memref_slice %arg7[%dma_start3A_170, %dma_start3A_175] : memref<16x640xi32, #tpu.memory_space<vmem>> -> memref<1x640xi32, #tpu.memory_space<vmem>>
    %dma_start3A_177 = tpu.memref_squeeze %dma_start3A_176 : memref<1x640xi32, #tpu.memory_space<vmem>> -> memref<640xi32, #tpu.memory_space<vmem>>
    %dma_start3A_178 = tpu.memref_slice %arg10[%multiple_of3A_169] : memref<163840xi32, #tpu.memory_space<vmem_shared>> -> memref<640xi32, #tpu.memory_space<vmem_shared>>
    tpu.enqueue_dma source(%dma_start3A_178 : memref<640xi32, #tpu.memory_space<vmem_shared>>) target(%dma_start3A_177 : memref<640xi32, #tpu.memory_space<vmem>>) target_semaphore(%arg11 : memref<!tpu.dma_semaphore, #tpu.memory_space<semaphore_mem>>)
    %add3A_179 = arith.constant 133120 : i32
    %add3A_180 = arith.addi %add3A_179, %multiple_of3A_22 : i32
    %multiple_of3A_181 = tpu.assume_multiple %add3A_180, 8 : i32
    %dma_start3A_182 = arith.constant 13 : i32
    %dma_start3A_183 = arith.constant 0 : i32
    %dma_start3A_184 = tpu.memref_slice %arg7[%dma_start3A_182, %dma_start3A_183] : memref<16x640xi32, #tpu.memory_space<vmem>> -> memref<1x640xi32, #tpu.memory_space<vmem>>
    %dma_start3A_185 = tpu.memref_squeeze %dma_start3A_184 : memref<1x640xi32, #tpu.memory_space<vmem>> -> memref<640xi32, #tpu.memory_space<vmem>>
    %dma_start3A_186 = tpu.memref_slice %arg10[%multiple_of3A_181] : memref<163840xi32, #tpu.memory_space<vmem_shared>> -> memref<640xi32, #tpu.memory_space<vmem_shared>>
    %dma_start3A_187 = arith.constant 0 : i32
    %dma_start3A_188 = tpu.memref_slice %arg7[%dma_start3A_182, %dma_start3A_187] : memref<16x640xi32, #tpu.memory_space<vmem>> -> memref<1x640xi32, #tpu.memory_space<vmem>>
    %dma_start3A_189 = tpu.memref_squeeze %dma_start3A_188 : memref<1x640xi32, #tpu.memory_space<vmem>> -> memref<640xi32, #tpu.memory_space<vmem>>
    %dma_start3A_190 = tpu.memref_slice %arg10[%multiple_of3A_181] : memref<163840xi32, #tpu.memory_space<vmem_shared>> -> memref<640xi32, #tpu.memory_space<vmem_shared>>
    tpu.enqueue_dma source(%dma_start3A_190 : memref<640xi32, #tpu.memory_space<vmem_shared>>) target(%dma_start3A_189 : memref<640xi32, #tpu.memory_space<vmem>>) target_semaphore(%arg11 : memref<!tpu.dma_semaphore, #tpu.memory_space<semaphore_mem>>)
    %add3A_191 = arith.constant 143360 : i32
    %add3A_192 = arith.addi %add3A_191, %multiple_of3A_22 : i32
    %multiple_of3A_193 = tpu.assume_multiple %add3A_192, 8 : i32
    %dma_start3A_194 = arith.constant 14 : i32
    %dma_start3A_195 = arith.constant 0 : i32
    %dma_start3A_196 = tpu.memref_slice %arg7[%dma_start3A_194, %dma_start3A_195] : memref<16x640xi32, #tpu.memory_space<vmem>> -> memref<1x640xi32, #tpu.memory_space<vmem>>
    %dma_start3A_197 = tpu.memref_squeeze %dma_start3A_196 : memref<1x640xi32, #tpu.memory_space<vmem>> -> memref<640xi32, #tpu.memory_space<vmem>>
    %dma_start3A_198 = tpu.memref_slice %arg10[%multiple_of3A_193] : memref<163840xi32, #tpu.memory_space<vmem_shared>> -> memref<640xi32, #tpu.memory_space<vmem_shared>>
    %dma_start3A_199 = arith.constant 0 : i32
    %dma_start3A_200 = tpu.memref_slice %arg7[%dma_start3A_194, %dma_start3A_199] : memref<16x640xi32, #tpu.memory_space<vmem>> -> memref<1x640xi32, #tpu.memory_space<vmem>>
    %dma_start3A_201 = tpu.memref_squeeze %dma_start3A_200 : memref<1x640xi32, #tpu.memory_space<vmem>> -> memref<640xi32, #tpu.memory_space<vmem>>
    %dma_start3A_202 = tpu.memref_slice %arg10[%multiple_of3A_193] : memref<163840xi32, #tpu.memory_space<vmem_shared>> -> memref<640xi32, #tpu.memory_space<vmem_shared>>
    tpu.enqueue_dma source(%dma_start3A_202 : memref<640xi32, #tpu.memory_space<vmem_shared>>) target(%dma_start3A_201 : memref<640xi32, #tpu.memory_space<vmem>>) target_semaphore(%arg11 : memref<!tpu.dma_semaphore, #tpu.memory_space<semaphore_mem>>)
    %add3A_203 = arith.constant 153600 : i32
    %add3A_204 = arith.addi %add3A_203, %multiple_of3A_22 : i32
    %multiple_of3A_205 = tpu.assume_multiple %add3A_204, 8 : i32
    %dma_start3A_206 = arith.constant 15 : i32
    %dma_start3A_207 = arith.constant 0 : i32
    %dma_start3A_208 = tpu.memref_slice %arg7[%dma_start3A_206, %dma_start3A_207] : memref<16x640xi32, #tpu.memory_space<vmem>> -> memref<1x640xi32, #tpu.memory_space<vmem>>
    %dma_start3A_209 = tpu.memref_squeeze %dma_start3A_208 : memref<1x640xi32, #tpu.memory_space<vmem>> -> memref<640xi32, #tpu.memory_space<vmem>>
    %dma_start3A_210 = tpu.memref_slice %arg10[%multiple_of3A_205] : memref<163840xi32, #tpu.memory_space<vmem_shared>> -> memref<640xi32, #tpu.memory_space<vmem_shared>>
    %dma_start3A_211 = arith.constant 0 : i32
    %dma_start3A_212 = tpu.memref_slice %arg7[%dma_start3A_206, %dma_start3A_211] : memref<16x640xi32, #tpu.memory_space<vmem>> -> memref<1x640xi32, #tpu.memory_space<vmem>>
    %dma_start3A_213 = tpu.memref_squeeze %dma_start3A_212 : memref<1x640xi32, #tpu.memory_space<vmem>> -> memref<640xi32, #tpu.memory_space<vmem>>
    %dma_start3A_214 = tpu.memref_slice %arg10[%multiple_of3A_205] : memref<163840xi32, #tpu.memory_space<vmem_shared>> -> memref<640xi32, #tpu.memory_space<vmem_shared>>
    tpu.enqueue_dma source(%dma_start3A_214 : memref<640xi32, #tpu.memory_space<vmem_shared>>) target(%dma_start3A_213 : memref<640xi32, #tpu.memory_space<vmem>>) target_semaphore(%arg11 : memref<!tpu.dma_semaphore, #tpu.memory_space<semaphore_mem>>)
    %dma_wait3A_215 = arith.constant 0 : i32
    %dma_wait3A_216 = arith.constant 0 : i32
    %dma_wait3A_217 = tpu.memref_slice %arg7[%dma_wait3A_215, %dma_wait3A_216] : memref<16x640xi32, #tpu.memory_space<vmem>> -> memref<1x640xi32, #tpu.memory_space<vmem>>
    %dma_wait3A_218 = tpu.memref_squeeze %dma_wait3A_217 : memref<1x640xi32, #tpu.memory_space<vmem>> -> memref<640xi32, #tpu.memory_space<vmem>>
    %dma_wait3A_219 = tpu.memref_slice %arg10[%multiple_of3A_25] : memref<163840xi32, #tpu.memory_space<vmem_shared>> -> memref<640xi32, #tpu.memory_space<vmem_shared>>
    %dma_wait3A_220 = arith.constant 0 : i32
    %dma_wait3A_221 = tpu.memref_slice %arg7[%dma_wait3A_215, %dma_wait3A_220] : memref<16x640xi32, #tpu.memory_space<vmem>> -> memref<1x640xi32, #tpu.memory_space<vmem>>
    %dma_wait3A_222 = tpu.memref_squeeze %dma_wait3A_221 : memref<1x640xi32, #tpu.memory_space<vmem>> -> memref<640xi32, #tpu.memory_space<vmem>>
    %dma_wait3A_223 = tpu.memref_slice %arg10[%multiple_of3A_25] : memref<163840xi32, #tpu.memory_space<vmem_shared>> -> memref<640xi32, #tpu.memory_space<vmem_shared>>
    tpu.wait_dma2 semaphore(%arg11 : memref<!tpu.dma_semaphore, #tpu.memory_space<semaphore_mem>>) src(%dma_wait3A_223 : memref<640xi32, #tpu.memory_space<vmem_shared>>) dst(%dma_wait3A_222 : memref<640xi32, #tpu.memory_space<vmem>>)
    %dma_wait3A_224 = arith.constant 1 : i32
    %dma_wait3A_225 = arith.constant 0 : i32
    %dma_wait3A_226 = tpu.memref_slice %arg7[%dma_wait3A_224, %dma_wait3A_225] : memref<16x640xi32, #tpu.memory_space<vmem>> -> memref<1x640xi32, #tpu.memory_space<vmem>>
    %dma_wait3A_227 = tpu.memref_squeeze %dma_wait3A_226 : memref<1x640xi32, #tpu.memory_space<vmem>> -> memref<640xi32, #tpu.memory_space<vmem>>
    %dma_wait3A_228 = tpu.memref_slice %arg10[%multiple_of3A_37] : memref<163840xi32, #tpu.memory_space<vmem_shared>> -> memref<640xi32, #tpu.memory_space<vmem_shared>>
    %dma_wait3A_229 = arith.constant 0 : i32
    %dma_wait3A_230 = tpu.memref_slice %arg7[%dma_wait3A_224, %dma_wait3A_229] : memref<16x640xi32, #tpu.memory_space<vmem>> -> memref<1x640xi32, #tpu.memory_space<vmem>>
    %dma_wait3A_231 = tpu.memref_squeeze %dma_wait3A_230 : memref<1x640xi32, #tpu.memory_space<vmem>> -> memref<640xi32, #tpu.memory_space<vmem>>
    %dma_wait3A_232 = tpu.memref_slice %arg10[%multiple_of3A_37] : memref<163840xi32, #tpu.memory_space<vmem_shared>> -> memref<640xi32, #tpu.memory_space<vmem_shared>>
    tpu.wait_dma2 semaphore(%arg11 : memref<!tpu.dma_semaphore, #tpu.memory_space<semaphore_mem>>) src(%dma_wait3A_232 : memref<640xi32, #tpu.memory_space<vmem_shared>>) dst(%dma_wait3A_231 : memref<640xi32, #tpu.memory_space<vmem>>)
    %dma_wait3A_233 = arith.constant 2 : i32
    %dma_wait3A_234 = arith.constant 0 : i32
    %dma_wait3A_235 = tpu.memref_slice %arg7[%dma_wait3A_233, %dma_wait3A_234] : memref<16x640xi32, #tpu.memory_space<vmem>> -> memref<1x640xi32, #tpu.memory_space<vmem>>
    %dma_wait3A_236 = tpu.memref_squeeze %dma_wait3A_235 : memref<1x640xi32, #tpu.memory_space<vmem>> -> memref<640xi32, #tpu.memory_space<vmem>>
    %dma_wait3A_237 = tpu.memref_slice %arg10[%multiple_of3A_49] : memref<163840xi32, #tpu.memory_space<vmem_shared>> -> memref<640xi32, #tpu.memory_space<vmem_shared>>
    %dma_wait3A_238 = arith.constant 0 : i32
    %dma_wait3A_239 = tpu.memref_slice %arg7[%dma_wait3A_233, %dma_wait3A_238] : memref<16x640xi32, #tpu.memory_space<vmem>> -> memref<1x640xi32, #tpu.memory_space<vmem>>
    %dma_wait3A_240 = tpu.memref_squeeze %dma_wait3A_239 : memref<1x640xi32, #tpu.memory_space<vmem>> -> memref<640xi32, #tpu.memory_space<vmem>>
    %dma_wait3A_241 = tpu.memref_slice %arg10[%multiple_of3A_49] : memref<163840xi32, #tpu.memory_space<vmem_shared>> -> memref<640xi32, #tpu.memory_space<vmem_shared>>
    tpu.wait_dma2 semaphore(%arg11 : memref<!tpu.dma_semaphore, #tpu.memory_space<semaphore_mem>>) src(%dma_wait3A_241 : memref<640xi32, #tpu.memory_space<vmem_shared>>) dst(%dma_wait3A_240 : memref<640xi32, #tpu.memory_space<vmem>>)
    %dma_wait3A_242 = arith.constant 3 : i32
    %dma_wait3A_243 = arith.constant 0 : i32
    %dma_wait3A_244 = tpu.memref_slice %arg7[%dma_wait3A_242, %dma_wait3A_243] : memref<16x640xi32, #tpu.memory_space<vmem>> -> memref<1x640xi32, #tpu.memory_space<vmem>>
    %dma_wait3A_245 = tpu.memref_squeeze %dma_wait3A_244 : memref<1x640xi32, #tpu.memory_space<vmem>> -> memref<640xi32, #tpu.memory_space<vmem>>
    %dma_wait3A_246 = tpu.memref_slice %arg10[%multiple_of3A_61] : memref<163840xi32, #tpu.memory_space<vmem_shared>> -> memref<640xi32, #tpu.memory_space<vmem_shared>>
    %dma_wait3A_247 = arith.constant 0 : i32
    %dma_wait3A_248 = tpu.memref_slice %arg7[%dma_wait3A_242, %dma_wait3A_247] : memref<16x640xi32, #tpu.memory_space<vmem>> -> memref<1x640xi32, #tpu.memory_space<vmem>>
    %dma_wait3A_249 = tpu.memref_squeeze %dma_wait3A_248 : memref<1x640xi32, #tpu.memory_space<vmem>> -> memref<640xi32, #tpu.memory_space<vmem>>
    %dma_wait3A_250 = tpu.memref_slice %arg10[%multiple_of3A_61] : memref<163840xi32, #tpu.memory_space<vmem_shared>> -> memref<640xi32, #tpu.memory_space<vmem_shared>>
    tpu.wait_dma2 semaphore(%arg11 : memref<!tpu.dma_semaphore, #tpu.memory_space<semaphore_mem>>) src(%dma_wait3A_250 : memref<640xi32, #tpu.memory_space<vmem_shared>>) dst(%dma_wait3A_249 : memref<640xi32, #tpu.memory_space<vmem>>)
    %dma_wait3A_251 = arith.constant 4 : i32
    %dma_wait3A_252 = arith.constant 0 : i32
    %dma_wait3A_253 = tpu.memref_slice %arg7[%dma_wait3A_251, %dma_wait3A_252] : memref<16x640xi32, #tpu.memory_space<vmem>> -> memref<1x640xi32, #tpu.memory_space<vmem>>
    %dma_wait3A_254 = tpu.memref_squeeze %dma_wait3A_253 : memref<1x640xi32, #tpu.memory_space<vmem>> -> memref<640xi32, #tpu.memory_space<vmem>>
    %dma_wait3A_255 = tpu.memref_slice %arg10[%multiple_of3A_73] : memref<163840xi32, #tpu.memory_space<vmem_shared>> -> memref<640xi32, #tpu.memory_space<vmem_shared>>
    %dma_wait3A_256 = arith.constant 0 : i32
    %dma_wait3A_257 = tpu.memref_slice %arg7[%dma_wait3A_251, %dma_wait3A_256] : memref<16x640xi32, #tpu.memory_space<vmem>> -> memref<1x640xi32, #tpu.memory_space<vmem>>
    %dma_wait3A_258 = tpu.memref_squeeze %dma_wait3A_257 : memref<1x640xi32, #tpu.memory_space<vmem>> -> memref<640xi32, #tpu.memory_space<vmem>>
    %dma_wait3A_259 = tpu.memref_slice %arg10[%multiple_of3A_73] : memref<163840xi32, #tpu.memory_space<vmem_shared>> -> memref<640xi32, #tpu.memory_space<vmem_shared>>
    tpu.wait_dma2 semaphore(%arg11 : memref<!tpu.dma_semaphore, #tpu.memory_space<semaphore_mem>>) src(%dma_wait3A_259 : memref<640xi32, #tpu.memory_space<vmem_shared>>) dst(%dma_wait3A_258 : memref<640xi32, #tpu.memory_space<vmem>>)
    %dma_wait3A_260 = arith.constant 5 : i32
    %dma_wait3A_261 = arith.constant 0 : i32
    %dma_wait3A_262 = tpu.memref_slice %arg7[%dma_wait3A_260, %dma_wait3A_261] : memref<16x640xi32, #tpu.memory_space<vmem>> -> memref<1x640xi32, #tpu.memory_space<vmem>>
    %dma_wait3A_263 = tpu.memref_squeeze %dma_wait3A_262 : memref<1x640xi32, #tpu.memory_space<vmem>> -> memref<640xi32, #tpu.memory_space<vmem>>
    %dma_wait3A_264 = tpu.memref_slice %arg10[%multiple_of3A_85] : memref<163840xi32, #tpu.memory_space<vmem_shared>> -> memref<640xi32, #tpu.memory_space<vmem_shared>>
    %dma_wait3A_265 = arith.constant 0 : i32
    %dma_wait3A_266 = tpu.memref_slice %arg7[%dma_wait3A_260, %dma_wait3A_265] : memref<16x640xi32, #tpu.memory_space<vmem>> -> memref<1x640xi32, #tpu.memory_space<vmem>>
    %dma_wait3A_267 = tpu.memref_squeeze %dma_wait3A_266 : memref<1x640xi32, #tpu.memory_space<vmem>> -> memref<640xi32, #tpu.memory_space<vmem>>
    %dma_wait3A_268 = tpu.memref_slice %arg10[%multiple_of3A_85] : memref<163840xi32, #tpu.memory_space<vmem_shared>> -> memref<640xi32, #tpu.memory_space<vmem_shared>>
    tpu.wait_dma2 semaphore(%arg11 : memref<!tpu.dma_semaphore, #tpu.memory_space<semaphore_mem>>) src(%dma_wait3A_268 : memref<640xi32, #tpu.memory_space<vmem_shared>>) dst(%dma_wait3A_267 : memref<640xi32, #tpu.memory_space<vmem>>)
    %dma_wait3A_269 = arith.constant 6 : i32
    %dma_wait3A_270 = arith.constant 0 : i32
    %dma_wait3A_271 = tpu.memref_slice %arg7[%dma_wait3A_269, %dma_wait3A_270] : memref<16x640xi32, #tpu.memory_space<vmem>> -> memref<1x640xi32, #tpu.memory_space<vmem>>
    %dma_wait3A_272 = tpu.memref_squeeze %dma_wait3A_271 : memref<1x640xi32, #tpu.memory_space<vmem>> -> memref<640xi32, #tpu.memory_space<vmem>>
    %dma_wait3A_273 = tpu.memref_slice %arg10[%multiple_of3A_97] : memref<163840xi32, #tpu.memory_space<vmem_shared>> -> memref<640xi32, #tpu.memory_space<vmem_shared>>
    %dma_wait3A_274 = arith.constant 0 : i32
    %dma_wait3A_275 = tpu.memref_slice %arg7[%dma_wait3A_269, %dma_wait3A_274] : memref<16x640xi32, #tpu.memory_space<vmem>> -> memref<1x640xi32, #tpu.memory_space<vmem>>
    %dma_wait3A_276 = tpu.memref_squeeze %dma_wait3A_275 : memref<1x640xi32, #tpu.memory_space<vmem>> -> memref<640xi32, #tpu.memory_space<vmem>>
    %dma_wait3A_277 = tpu.memref_slice %arg10[%multiple_of3A_97] : memref<163840xi32, #tpu.memory_space<vmem_shared>> -> memref<640xi32, #tpu.memory_space<vmem_shared>>
    tpu.wait_dma2 semaphore(%arg11 : memref<!tpu.dma_semaphore, #tpu.memory_space<semaphore_mem>>) src(%dma_wait3A_277 : memref<640xi32, #tpu.memory_space<vmem_shared>>) dst(%dma_wait3A_276 : memref<640xi32, #tpu.memory_space<vmem>>)
    %dma_wait3A_278 = arith.constant 7 : i32
    %dma_wait3A_279 = arith.constant 0 : i32
    %dma_wait3A_280 = tpu.memref_slice %arg7[%dma_wait3A_278, %dma_wait3A_279] : memref<16x640xi32, #tpu.memory_space<vmem>> -> memref<1x640xi32, #tpu.memory_space<vmem>>
    %dma_wait3A_281 = tpu.memref_squeeze %dma_wait3A_280 : memref<1x640xi32, #tpu.memory_space<vmem>> -> memref<640xi32, #tpu.memory_space<vmem>>
    %dma_wait3A_282 = tpu.memref_slice %arg10[%multiple_of3A_109] : memref<163840xi32, #tpu.memory_space<vmem_shared>> -> memref<640xi32, #tpu.memory_space<vmem_shared>>
    %dma_wait3A_283 = arith.constant 0 : i32
    %dma_wait3A_284 = tpu.memref_slice %arg7[%dma_wait3A_278, %dma_wait3A_283] : memref<16x640xi32, #tpu.memory_space<vmem>> -> memref<1x640xi32, #tpu.memory_space<vmem>>
    %dma_wait3A_285 = tpu.memref_squeeze %dma_wait3A_284 : memref<1x640xi32, #tpu.memory_space<vmem>> -> memref<640xi32, #tpu.memory_space<vmem>>
    %dma_wait3A_286 = tpu.memref_slice %arg10[%multiple_of3A_109] : memref<163840xi32, #tpu.memory_space<vmem_shared>> -> memref<640xi32, #tpu.memory_space<vmem_shared>>
    tpu.wait_dma2 semaphore(%arg11 : memref<!tpu.dma_semaphore, #tpu.memory_space<semaphore_mem>>) src(%dma_wait3A_286 : memref<640xi32, #tpu.memory_space<vmem_shared>>) dst(%dma_wait3A_285 : memref<640xi32, #tpu.memory_space<vmem>>)
    %dma_wait3A_287 = arith.constant 8 : i32
    %dma_wait3A_288 = arith.constant 0 : i32
    %dma_wait3A_289 = tpu.memref_slice %arg7[%dma_wait3A_287, %dma_wait3A_288] : memref<16x640xi32, #tpu.memory_space<vmem>> -> memref<1x640xi32, #tpu.memory_space<vmem>>
    %dma_wait3A_290 = tpu.memref_squeeze %dma_wait3A_289 : memref<1x640xi32, #tpu.memory_space<vmem>> -> memref<640xi32, #tpu.memory_space<vmem>>
    %dma_wait3A_291 = tpu.memref_slice %arg10[%multiple_of3A_121] : memref<163840xi32, #tpu.memory_space<vmem_shared>> -> memref<640xi32, #tpu.memory_space<vmem_shared>>
    %dma_wait3A_292 = arith.constant 0 : i32
    %dma_wait3A_293 = tpu.memref_slice %arg7[%dma_wait3A_287, %dma_wait3A_292] : memref<16x640xi32, #tpu.memory_space<vmem>> -> memref<1x640xi32, #tpu.memory_space<vmem>>
    %dma_wait3A_294 = tpu.memref_squeeze %dma_wait3A_293 : memref<1x640xi32, #tpu.memory_space<vmem>> -> memref<640xi32, #tpu.memory_space<vmem>>
    %dma_wait3A_295 = tpu.memref_slice %arg10[%multiple_of3A_121] : memref<163840xi32, #tpu.memory_space<vmem_shared>> -> memref<640xi32, #tpu.memory_space<vmem_shared>>
    tpu.wait_dma2 semaphore(%arg11 : memref<!tpu.dma_semaphore, #tpu.memory_space<semaphore_mem>>) src(%dma_wait3A_295 : memref<640xi32, #tpu.memory_space<vmem_shared>>) dst(%dma_wait3A_294 : memref<640xi32, #tpu.memory_space<vmem>>)
    %dma_wait3A_296 = arith.constant 9 : i32
    %dma_wait3A_297 = arith.constant 0 : i32
    %dma_wait3A_298 = tpu.memref_slice %arg7[%dma_wait3A_296, %dma_wait3A_297] : memref<16x640xi32, #tpu.memory_space<vmem>> -> memref<1x640xi32, #tpu.memory_space<vmem>>
    %dma_wait3A_299 = tpu.memref_squeeze %dma_wait3A_298 : memref<1x640xi32, #tpu.memory_space<vmem>> -> memref<640xi32, #tpu.memory_space<vmem>>
    %dma_wait3A_300 = tpu.memref_slice %arg10[%multiple_of3A_133] : memref<163840xi32, #tpu.memory_space<vmem_shared>> -> memref<640xi32, #tpu.memory_space<vmem_shared>>
    %dma_wait3A_301 = arith.constant 0 : i32
    %dma_wait3A_302 = tpu.memref_slice %arg7[%dma_wait3A_296, %dma_wait3A_301] : memref<16x640xi32, #tpu.memory_space<vmem>> -> memref<1x640xi32, #tpu.memory_space<vmem>>
    %dma_wait3A_303 = tpu.memref_squeeze %dma_wait3A_302 : memref<1x640xi32, #tpu.memory_space<vmem>> -> memref<640xi32, #tpu.memory_space<vmem>>
    %dma_wait3A_304 = tpu.memref_slice %arg10[%multiple_of3A_133] : memref<163840xi32, #tpu.memory_space<vmem_shared>> -> memref<640xi32, #tpu.memory_space<vmem_shared>>
    tpu.wait_dma2 semaphore(%arg11 : memref<!tpu.dma_semaphore, #tpu.memory_space<semaphore_mem>>) src(%dma_wait3A_304 : memref<640xi32, #tpu.memory_space<vmem_shared>>) dst(%dma_wait3A_303 : memref<640xi32, #tpu.memory_space<vmem>>)
    %dma_wait3A_305 = arith.constant 10 : i32
    %dma_wait3A_306 = arith.constant 0 : i32
    %dma_wait3A_307 = tpu.memref_slice %arg7[%dma_wait3A_305, %dma_wait3A_306] : memref<16x640xi32, #tpu.memory_space<vmem>> -> memref<1x640xi32, #tpu.memory_space<vmem>>
    %dma_wait3A_308 = tpu.memref_squeeze %dma_wait3A_307 : memref<1x640xi32, #tpu.memory_space<vmem>> -> memref<640xi32, #tpu.memory_space<vmem>>
    %dma_wait3A_309 = tpu.memref_slice %arg10[%multiple_of3A_145] : memref<163840xi32, #tpu.memory_space<vmem_shared>> -> memref<640xi32, #tpu.memory_space<vmem_shared>>
    %dma_wait3A_310 = arith.constant 0 : i32
    %dma_wait3A_311 = tpu.memref_slice %arg7[%dma_wait3A_305, %dma_wait3A_310] : memref<16x640xi32, #tpu.memory_space<vmem>> -> memref<1x640xi32, #tpu.memory_space<vmem>>
    %dma_wait3A_312 = tpu.memref_squeeze %dma_wait3A_311 : memref<1x640xi32, #tpu.memory_space<vmem>> -> memref<640xi32, #tpu.memory_space<vmem>>
    %dma_wait3A_313 = tpu.memref_slice %arg10[%multiple_of3A_145] : memref<163840xi32, #tpu.memory_space<vmem_shared>> -> memref<640xi32, #tpu.memory_space<vmem_shared>>
    tpu.wait_dma2 semaphore(%arg11 : memref<!tpu.dma_semaphore, #tpu.memory_space<semaphore_mem>>) src(%dma_wait3A_313 : memref<640xi32, #tpu.memory_space<vmem_shared>>) dst(%dma_wait3A_312 : memref<640xi32, #tpu.memory_space<vmem>>)
    %dma_wait3A_314 = arith.constant 11 : i32
    %dma_wait3A_315 = arith.constant 0 : i32
    %dma_wait3A_316 = tpu.memref_slice %arg7[%dma_wait3A_314, %dma_wait3A_315] : memref<16x640xi32, #tpu.memory_space<vmem>> -> memref<1x640xi32, #tpu.memory_space<vmem>>
    %dma_wait3A_317 = tpu.memref_squeeze %dma_wait3A_316 : memref<1x640xi32, #tpu.memory_space<vmem>> -> memref<640xi32, #tpu.memory_space<vmem>>
    %dma_wait3A_318 = tpu.memref_slice %arg10[%multiple_of3A_157] : memref<163840xi32, #tpu.memory_space<vmem_shared>> -> memref<640xi32, #tpu.memory_space<vmem_shared>>
    %dma_wait3A_319 = arith.constant 0 : i32
    %dma_wait3A_320 = tpu.memref_slice %arg7[%dma_wait3A_314, %dma_wait3A_319] : memref<16x640xi32, #tpu.memory_space<vmem>> -> memref<1x640xi32, #tpu.memory_space<vmem>>
    %dma_wait3A_321 = tpu.memref_squeeze %dma_wait3A_320 : memref<1x640xi32, #tpu.memory_space<vmem>> -> memref<640xi32, #tpu.memory_space<vmem>>
    %dma_wait3A_322 = tpu.memref_slice %arg10[%multiple_of3A_157] : memref<163840xi32, #tpu.memory_space<vmem_shared>> -> memref<640xi32, #tpu.memory_space<vmem_shared>>
    tpu.wait_dma2 semaphore(%arg11 : memref<!tpu.dma_semaphore, #tpu.memory_space<semaphore_mem>>) src(%dma_wait3A_322 : memref<640xi32, #tpu.memory_space<vmem_shared>>) dst(%dma_wait3A_321 : memref<640xi32, #tpu.memory_space<vmem>>)
    %dma_wait3A_323 = arith.constant 12 : i32
    %dma_wait3A_324 = arith.constant 0 : i32
    %dma_wait3A_325 = tpu.memref_slice %arg7[%dma_wait3A_323, %dma_wait3A_324] : memref<16x640xi32, #tpu.memory_space<vmem>> -> memref<1x640xi32, #tpu.memory_space<vmem>>
    %dma_wait3A_326 = tpu.memref_squeeze %dma_wait3A_325 : memref<1x640xi32, #tpu.memory_space<vmem>> -> memref<640xi32, #tpu.memory_space<vmem>>
    %dma_wait3A_327 = tpu.memref_slice %arg10[%multiple_of3A_169] : memref<163840xi32, #tpu.memory_space<vmem_shared>> -> memref<640xi32, #tpu.memory_space<vmem_shared>>
    %dma_wait3A_328 = arith.constant 0 : i32
    %dma_wait3A_329 = tpu.memref_slice %arg7[%dma_wait3A_323, %dma_wait3A_328] : memref<16x640xi32, #tpu.memory_space<vmem>> -> memref<1x640xi32, #tpu.memory_space<vmem>>
    %dma_wait3A_330 = tpu.memref_squeeze %dma_wait3A_329 : memref<1x640xi32, #tpu.memory_space<vmem>> -> memref<640xi32, #tpu.memory_space<vmem>>
    %dma_wait3A_331 = tpu.memref_slice %arg10[%multiple_of3A_169] : memref<163840xi32, #tpu.memory_space<vmem_shared>> -> memref<640xi32, #tpu.memory_space<vmem_shared>>
    tpu.wait_dma2 semaphore(%arg11 : memref<!tpu.dma_semaphore, #tpu.memory_space<semaphore_mem>>) src(%dma_wait3A_331 : memref<640xi32, #tpu.memory_space<vmem_shared>>) dst(%dma_wait3A_330 : memref<640xi32, #tpu.memory_space<vmem>>)
    %dma_wait3A_332 = arith.constant 13 : i32
    %dma_wait3A_333 = arith.constant 0 : i32
    %dma_wait3A_334 = tpu.memref_slice %arg7[%dma_wait3A_332, %dma_wait3A_333] : memref<16x640xi32, #tpu.memory_space<vmem>> -> memref<1x640xi32, #tpu.memory_space<vmem>>
    %dma_wait3A_335 = tpu.memref_squeeze %dma_wait3A_334 : memref<1x640xi32, #tpu.memory_space<vmem>> -> memref<640xi32, #tpu.memory_space<vmem>>
    %dma_wait3A_336 = tpu.memref_slice %arg10[%multiple_of3A_181] : memref<163840xi32, #tpu.memory_space<vmem_shared>> -> memref<640xi32, #tpu.memory_space<vmem_shared>>
    %dma_wait3A_337 = arith.constant 0 : i32
    %dma_wait3A_338 = tpu.memref_slice %arg7[%dma_wait3A_332, %dma_wait3A_337] : memref<16x640xi32, #tpu.memory_space<vmem>> -> memref<1x640xi32, #tpu.memory_space<vmem>>
    %dma_wait3A_339 = tpu.memref_squeeze %dma_wait3A_338 : memref<1x640xi32, #tpu.memory_space<vmem>> -> memref<640xi32, #tpu.memory_space<vmem>>
    %dma_wait3A_340 = tpu.memref_slice %arg10[%multiple_of3A_181] : memref<163840xi32, #tpu.memory_space<vmem_shared>> -> memref<640xi32, #tpu.memory_space<vmem_shared>>
    tpu.wait_dma2 semaphore(%arg11 : memref<!tpu.dma_semaphore, #tpu.memory_space<semaphore_mem>>) src(%dma_wait3A_340 : memref<640xi32, #tpu.memory_space<vmem_shared>>) dst(%dma_wait3A_339 : memref<640xi32, #tpu.memory_space<vmem>>)
    %dma_wait3A_341 = arith.constant 14 : i32
    %dma_wait3A_342 = arith.constant 0 : i32
    %dma_wait3A_343 = tpu.memref_slice %arg7[%dma_wait3A_341, %dma_wait3A_342] : memref<16x640xi32, #tpu.memory_space<vmem>> -> memref<1x640xi32, #tpu.memory_space<vmem>>
    %dma_wait3A_344 = tpu.memref_squeeze %dma_wait3A_343 : memref<1x640xi32, #tpu.memory_space<vmem>> -> memref<640xi32, #tpu.memory_space<vmem>>
    %dma_wait3A_345 = tpu.memref_slice %arg10[%multiple_of3A_193] : memref<163840xi32, #tpu.memory_space<vmem_shared>> -> memref<640xi32, #tpu.memory_space<vmem_shared>>
    %dma_wait3A_346 = arith.constant 0 : i32
    %dma_wait3A_347 = tpu.memref_slice %arg7[%dma_wait3A_341, %dma_wait3A_346] : memref<16x640xi32, #tpu.memory_space<vmem>> -> memref<1x640xi32, #tpu.memory_space<vmem>>
    %dma_wait3A_348 = tpu.memref_squeeze %dma_wait3A_347 : memref<1x640xi32, #tpu.memory_space<vmem>> -> memref<640xi32, #tpu.memory_space<vmem>>
    %dma_wait3A_349 = tpu.memref_slice %arg10[%multiple_of3A_193] : memref<163840xi32, #tpu.memory_space<vmem_shared>> -> memref<640xi32, #tpu.memory_space<vmem_shared>>
    tpu.wait_dma2 semaphore(%arg11 : memref<!tpu.dma_semaphore, #tpu.memory_space<semaphore_mem>>) src(%dma_wait3A_349 : memref<640xi32, #tpu.memory_space<vmem_shared>>) dst(%dma_wait3A_348 : memref<640xi32, #tpu.memory_space<vmem>>)
    %dma_wait3A_350 = arith.constant 15 : i32
    %dma_wait3A_351 = arith.constant 0 : i32
    %dma_wait3A_352 = tpu.memref_slice %arg7[%dma_wait3A_350, %dma_wait3A_351] : memref<16x640xi32, #tpu.memory_space<vmem>> -> memref<1x640xi32, #tpu.memory_space<vmem>>
    %dma_wait3A_353 = tpu.memref_squeeze %dma_wait3A_352 : memref<1x640xi32, #tpu.memory_space<vmem>> -> memref<640xi32, #tpu.memory_space<vmem>>
    %dma_wait3A_354 = tpu.memref_slice %arg10[%multiple_of3A_205] : memref<163840xi32, #tpu.memory_space<vmem_shared>> -> memref<640xi32, #tpu.memory_space<vmem_shared>>
    %dma_wait3A_355 = arith.constant 0 : i32
    %dma_wait3A_356 = tpu.memref_slice %arg7[%dma_wait3A_350, %dma_wait3A_355] : memref<16x640xi32, #tpu.memory_space<vmem>> -> memref<1x640xi32, #tpu.memory_space<vmem>>
    %dma_wait3A_357 = tpu.memref_squeeze %dma_wait3A_356 : memref<1x640xi32, #tpu.memory_space<vmem>> -> memref<640xi32, #tpu.memory_space<vmem>>
    %dma_wait3A_358 = tpu.memref_slice %arg10[%multiple_of3A_205] : memref<163840xi32, #tpu.memory_space<vmem_shared>> -> memref<640xi32, #tpu.memory_space<vmem_shared>>
    tpu.wait_dma2 semaphore(%arg11 : memref<!tpu.dma_semaphore, #tpu.memory_space<semaphore_mem>>) src(%dma_wait3A_358 : memref<640xi32, #tpu.memory_space<vmem_shared>>) dst(%dma_wait3A_357 : memref<640xi32, #tpu.memory_space<vmem>>)
    %get3A = arith.constant 0 : index
    %get3A_359 = tpu.vector_load %arg9[%get3A] {strides = array<i32>} : memref<16xf32, #tpu.memory_space<vmem>>, vector<16xf32>,
    %scan3A_360 = arith.constant 0 : i32
    %scan3A_361 = arith.constant 0 : i32
    %scan3A_362 = arith.constant 40 : i32
    %scan3A_363 = arith.addi %scan3A_361, %scan3A_362 : i32
    %scan3A_364 = arith.constant 4 : i32
    %scan3A_365 = scf.for %scan3A_371 = %scan3A_361 to %scan3A_363 step %scan3A_364 iter_args(%scan3A_372 = %scan3A_360) -> (i32)  : i32 {
      %mul3A_373 = arith.constant 16 : i32
      %mul3A_374 = arith.muli %scan3A_371, %mul3A_373 : i32
      %get3A_375 = arith.constant 0 : i32
      %get3A_376 = arith.index_cast %get3A_375 : i32 to index
      %get3A_377 = arith.index_cast %mul3A_374 : i32 to index
      %get3A_378 = tpu.vector_load %arg7[%get3A_376, %get3A_377] {strides = array<i32>} : memref<16x640xi32, #tpu.memory_space<vmem>>, vector<16xi32>,
      %get3A_379 = arith.constant 1 : i32
      %get3A_380 = arith.index_cast %get3A_379 : i32 to index
      %get3A_381 = arith.index_cast %mul3A_374 : i32 to index
      %get3A_382 = tpu.vector_load %arg7[%get3A_380, %get3A_381] {strides = array<i32>} : memref<16x640xi32, #tpu.memory_space<vmem>>, vector<16xi32>,
      %add3A_383 = arith.addi %get3A_378, %get3A_382 : vector<16xi32>
      %get3A_384 = arith.constant 2 : i32
      %get3A_385 = arith.index_cast %get3A_384 : i32 to index
      %get3A_386 = arith.index_cast %mul3A_374 : i32 to index
      %get3A_387 = tpu.vector_load %arg7[%get3A_385, %get3A_386] {strides = array<i32>} : memref<16x640xi32, #tpu.memory_space<vmem>>, vector<16xi32>,
      %add3A_388 = arith.addi %add3A_383, %get3A_387 : vector<16xi32>
      %get3A_389 = arith.constant 3 : i32
      %get3A_390 = arith.index_cast %get3A_389 : i32 to index
      %get3A_391 = arith.index_cast %mul3A_374 : i32 to index
      %get3A_392 = tpu.vector_load %arg7[%get3A_390, %get3A_391] {strides = array<i32>} : memref<16x640xi32, #tpu.memory_space<vmem>>, vector<16xi32>,
      %add3A_393 = arith.addi %add3A_388, %get3A_392 : vector<16xi32>
      %get3A_394 = arith.constant 4 : i32
      %get3A_395 = arith.index_cast %get3A_394 : i32 to index
      %get3A_396 = arith.index_cast %mul3A_374 : i32 to index
      %get3A_397 = tpu.vector_load %arg7[%get3A_395, %get3A_396] {strides = array<i32>} : memref<16x640xi32, #tpu.memory_space<vmem>>, vector<16xi32>,
      %add3A_398 = arith.addi %add3A_393, %get3A_397 : vector<16xi32>
      %get3A_399 = arith.constant 5 : i32
      %get3A_400 = arith.index_cast %get3A_399 : i32 to index
      %get3A_401 = arith.index_cast %mul3A_374 : i32 to index
      %get3A_402 = tpu.vector_load %arg7[%get3A_400, %get3A_401] {strides = array<i32>} : memref<16x640xi32, #tpu.memory_space<vmem>>, vector<16xi32>,
      %add3A_403 = arith.addi %add3A_398, %get3A_402 : vector<16xi32>
      %get3A_404 = arith.constant 6 : i32
      %get3A_405 = arith.index_cast %get3A_404 : i32 to index
      %get3A_406 = arith.index_cast %mul3A_374 : i32 to index
      %get3A_407 = tpu.vector_load %arg7[%get3A_405, %get3A_406] {strides = array<i32>} : memref<16x640xi32, #tpu.memory_space<vmem>>, vector<16xi32>,
      %add3A_408 = arith.addi %add3A_403, %get3A_407 : vector<16xi32>
      %get3A_409 = arith.constant 7 : i32
      %get3A_410 = arith.index_cast %get3A_409 : i32 to index
      %get3A_411 = arith.index_cast %mul3A_374 : i32 to index
      %get3A_412 = tpu.vector_load %arg7[%get3A_410, %get3A_411] {strides = array<i32>} : memref<16x640xi32, #tpu.memory_space<vmem>>, vector<16xi32>,
      %add3A_413 = arith.addi %add3A_408, %get3A_412 : vector<16xi32>
      %get3A_414 = arith.constant 8 : i32
      %get3A_415 = arith.index_cast %get3A_414 : i32 to index
      %get3A_416 = arith.index_cast %mul3A_374 : i32 to index
      %get3A_417 = tpu.vector_load %arg7[%get3A_415, %get3A_416] {strides = array<i32>} : memref<16x640xi32, #tpu.memory_space<vmem>>, vector<16xi32>,
      %add3A_418 = arith.addi %add3A_413, %get3A_417 : vector<16xi32>
      %get3A_419 = arith.constant 9 : i32
      %get3A_420 = arith.index_cast %get3A_419 : i32 to index
      %get3A_421 = arith.index_cast %mul3A_374 : i32 to index
      %get3A_422 = tpu.vector_load %arg7[%get3A_420, %get3A_421] {strides = array<i32>} : memref<16x640xi32, #tpu.memory_space<vmem>>, vector<16xi32>,
      %add3A_423 = arith.addi %add3A_418, %get3A_422 : vector<16xi32>
      %get3A_424 = arith.constant 10 : i32
      %get3A_425 = arith.index_cast %get3A_424 : i32 to index
      %get3A_426 = arith.index_cast %mul3A_374 : i32 to index
      %get3A_427 = tpu.vector_load %arg7[%get3A_425, %get3A_426] {strides = array<i32>} : memref<16x640xi32, #tpu.memory_space<vmem>>, vector<16xi32>,
      %add3A_428 = arith.addi %add3A_423, %get3A_427 : vector<16xi32>
      %get3A_429 = arith.constant 11 : i32
      %get3A_430 = arith.index_cast %get3A_429 : i32 to index
      %get3A_431 = arith.index_cast %mul3A_374 : i32 to index
      %get3A_432 = tpu.vector_load %arg7[%get3A_430, %get3A_431] {strides = array<i32>} : memref<16x640xi32, #tpu.memory_space<vmem>>, vector<16xi32>,
      %add3A_433 = arith.addi %add3A_428, %get3A_432 : vector<16xi32>
      %get3A_434 = arith.constant 12 : i32
      %get3A_435 = arith.index_cast %get3A_434 : i32 to index
      %get3A_436 = arith.index_cast %mul3A_374 : i32 to index
      %get3A_437 = tpu.vector_load %arg7[%get3A_435, %get3A_436] {strides = array<i32>} : memref<16x640xi32, #tpu.memory_space<vmem>>, vector<16xi32>,
      %add3A_438 = arith.addi %add3A_433, %get3A_437 : vector<16xi32>
      %get3A_439 = arith.constant 13 : i32
      %get3A_440 = arith.index_cast %get3A_439 : i32 to index
      %get3A_441 = arith.index_cast %mul3A_374 : i32 to index
      %get3A_442 = tpu.vector_load %arg7[%get3A_440, %get3A_441] {strides = array<i32>} : memref<16x640xi32, #tpu.memory_space<vmem>>, vector<16xi32>,
      %add3A_443 = arith.addi %add3A_438, %get3A_442 : vector<16xi32>
      %get3A_444 = arith.constant 14 : i32
      %get3A_445 = arith.index_cast %get3A_444 : i32 to index
      %get3A_446 = arith.index_cast %mul3A_374 : i32 to index
      %get3A_447 = tpu.vector_load %arg7[%get3A_445, %get3A_446] {strides = array<i32>} : memref<16x640xi32, #tpu.memory_space<vmem>>, vector<16xi32>,
      %add3A_448 = arith.addi %add3A_443, %get3A_447 : vector<16xi32>
      %get3A_449 = arith.constant 15 : i32
      %get3A_450 = arith.index_cast %get3A_449 : i32 to index
      %get3A_451 = arith.index_cast %mul3A_374 : i32 to index
      %get3A_452 = tpu.vector_load %arg7[%get3A_450, %get3A_451] {strides = array<i32>} : memref<16x640xi32, #tpu.memory_space<vmem>>, vector<16xi32>,
      %add3A_453 = arith.addi %add3A_448, %get3A_452 : vector<16xi32>
      %convert_element_type3A = arith.sitofp %add3A_453 : vector<16xi32> to vector<16xf32>
      %add3A_454 = arith.addf %convert_element_type3A, %get3A_359 : vector<16xf32>
      %swap3A = arith.index_cast %mul3A_374 : i32 to index
      %swap3A_455 = tpu.vector_load %arg8[%swap3A] {strides = array<i32>} : memref<640xf32, #tpu.memory_space<vmem>>, vector<16xf32>,
      tpu.vector_store %arg8[%swap3A], %add3A_454 {strides = array<i32>} : memref<640xf32, #tpu.memory_space<vmem>>, vector<16xf32>,
      %scan3A_456 = arith.constant 0 : i32
      %scan3A_457 = arith.constant 1 : i32
      %scan3A_458 = arith.addi %scan3A_371, %scan3A_457 : i32
      %mul3A_459 = arith.constant 16 : i32
      %mul3A_460 = arith.muli %scan3A_458, %mul3A_459 : i32
      %get3A_461 = arith.constant 0 : i32
      %get3A_462 = arith.index_cast %get3A_461 : i32 to index
      %get3A_463 = arith.index_cast %mul3A_460 : i32 to index
      %get3A_464 = tpu.vector_load %arg7[%get3A_462, %get3A_463] {strides = array<i32>} : memref<16x640xi32, #tpu.memory_space<vmem>>, vector<16xi32>,
      %get3A_465 = arith.constant 1 : i32
      %get3A_466 = arith.index_cast %get3A_465 : i32 to index
      %get3A_467 = arith.index_cast %mul3A_460 : i32 to index
      %get3A_468 = tpu.vector_load %arg7[%get3A_466, %get3A_467] {strides = array<i32>} : memref<16x640xi32, #tpu.memory_space<vmem>>, vector<16xi32>,
      %add3A_469 = arith.addi %get3A_464, %get3A_468 : vector<16xi32>
      %get3A_470 = arith.constant 2 : i32
      %get3A_471 = arith.index_cast %get3A_470 : i32 to index
      %get3A_472 = arith.index_cast %mul3A_460 : i32 to index
      %get3A_473 = tpu.vector_load %arg7[%get3A_471, %get3A_472] {strides = array<i32>} : memref<16x640xi32, #tpu.memory_space<vmem>>, vector<16xi32>,
      %add3A_474 = arith.addi %add3A_469, %get3A_473 : vector<16xi32>
      %get3A_475 = arith.constant 3 : i32
      %get3A_476 = arith.index_cast %get3A_475 : i32 to index
      %get3A_477 = arith.index_cast %mul3A_460 : i32 to index
      %get3A_478 = tpu.vector_load %arg7[%get3A_476, %get3A_477] {strides = array<i32>} : memref<16x640xi32, #tpu.memory_space<vmem>>, vector<16xi32>,
      %add3A_479 = arith.addi %add3A_474, %get3A_478 : vector<16xi32>
      %get3A_480 = arith.constant 4 : i32
      %get3A_481 = arith.index_cast %get3A_480 : i32 to index
      %get3A_482 = arith.index_cast %mul3A_460 : i32 to index
      %get3A_483 = tpu.vector_load %arg7[%get3A_481, %get3A_482] {strides = array<i32>} : memref<16x640xi32, #tpu.memory_space<vmem>>, vector<16xi32>,
      %add3A_484 = arith.addi %add3A_479, %get3A_483 : vector<16xi32>
      %get3A_485 = arith.constant 5 : i32
      %get3A_486 = arith.index_cast %get3A_485 : i32 to index
      %get3A_487 = arith.index_cast %mul3A_460 : i32 to index
      %get3A_488 = tpu.vector_load %arg7[%get3A_486, %get3A_487] {strides = array<i32>} : memref<16x640xi32, #tpu.memory_space<vmem>>, vector<16xi32>,
      %add3A_489 = arith.addi %add3A_484, %get3A_488 : vector<16xi32>
      %get3A_490 = arith.constant 6 : i32
      %get3A_491 = arith.index_cast %get3A_490 : i32 to index
      %get3A_492 = arith.index_cast %mul3A_460 : i32 to index
      %get3A_493 = tpu.vector_load %arg7[%get3A_491, %get3A_492] {strides = array<i32>} : memref<16x640xi32, #tpu.memory_space<vmem>>, vector<16xi32>,
      %add3A_494 = arith.addi %add3A_489, %get3A_493 : vector<16xi32>
      %get3A_495 = arith.constant 7 : i32
      %get3A_496 = arith.index_cast %get3A_495 : i32 to index
      %get3A_497 = arith.index_cast %mul3A_460 : i32 to index
      %get3A_498 = tpu.vector_load %arg7[%get3A_496, %get3A_497] {strides = array<i32>} : memref<16x640xi32, #tpu.memory_space<vmem>>, vector<16xi32>,
      %add3A_499 = arith.addi %add3A_494, %get3A_498 : vector<16xi32>
      %get3A_500 = arith.constant 8 : i32
      %get3A_501 = arith.index_cast %get3A_500 : i32 to index
      %get3A_502 = arith.index_cast %mul3A_460 : i32 to index
      %get3A_503 = tpu.vector_load %arg7[%get3A_501, %get3A_502] {strides = array<i32>} : memref<16x640xi32, #tpu.memory_space<vmem>>, vector<16xi32>,
      %add3A_504 = arith.addi %add3A_499, %get3A_503 : vector<16xi32>
      %get3A_505 = arith.constant 9 : i32
      %get3A_506 = arith.index_cast %get3A_505 : i32 to index
      %get3A_507 = arith.index_cast %mul3A_460 : i32 to index
      %get3A_508 = tpu.vector_load %arg7[%get3A_506, %get3A_507] {strides = array<i32>} : memref<16x640xi32, #tpu.memory_space<vmem>>, vector<16xi32>,
      %add3A_509 = arith.addi %add3A_504, %get3A_508 : vector<16xi32>
      %get3A_510 = arith.constant 10 : i32
      %get3A_511 = arith.index_cast %get3A_510 : i32 to index
      %get3A_512 = arith.index_cast %mul3A_460 : i32 to index
      %get3A_513 = tpu.vector_load %arg7[%get3A_511, %get3A_512] {strides = array<i32>} : memref<16x640xi32, #tpu.memory_space<vmem>>, vector<16xi32>,
      %add3A_514 = arith.addi %add3A_509, %get3A_513 : vector<16xi32>
      %get3A_515 = arith.constant 11 : i32
      %get3A_516 = arith.index_cast %get3A_515 : i32 to index
      %get3A_517 = arith.index_cast %mul3A_460 : i32 to index
      %get3A_518 = tpu.vector_load %arg7[%get3A_516, %get3A_517] {strides = array<i32>} : memref<16x640xi32, #tpu.memory_space<vmem>>, vector<16xi32>,
      %add3A_519 = arith.addi %add3A_514, %get3A_518 : vector<16xi32>
      %get3A_520 = arith.constant 12 : i32
      %get3A_521 = arith.index_cast %get3A_520 : i32 to index
      %get3A_522 = arith.index_cast %mul3A_460 : i32 to index
      %get3A_523 = tpu.vector_load %arg7[%get3A_521, %get3A_522] {strides = array<i32>} : memref<16x640xi32, #tpu.memory_space<vmem>>, vector<16xi32>,
      %add3A_524 = arith.addi %add3A_519, %get3A_523 : vector<16xi32>
      %get3A_525 = arith.constant 13 : i32
      %get3A_526 = arith.index_cast %get3A_525 : i32 to index
      %get3A_527 = arith.index_cast %mul3A_460 : i32 to index
      %get3A_528 = tpu.vector_load %arg7[%get3A_526, %get3A_527] {strides = array<i32>} : memref<16x640xi32, #tpu.memory_space<vmem>>, vector<16xi32>,
      %add3A_529 = arith.addi %add3A_524, %get3A_528 : vector<16xi32>
      %get3A_530 = arith.constant 14 : i32
      %get3A_531 = arith.index_cast %get3A_530 : i32 to index
      %get3A_532 = arith.index_cast %mul3A_460 : i32 to index
      %get3A_533 = tpu.vector_load %arg7[%get3A_531, %get3A_532] {strides = array<i32>} : memref<16x640xi32, #tpu.memory_space<vmem>>, vector<16xi32>,
      %add3A_534 = arith.addi %add3A_529, %get3A_533 : vector<16xi32>
      %get3A_535 = arith.constant 15 : i32
      %get3A_536 = arith.index_cast %get3A_535 : i32 to index
      %get3A_537 = arith.index_cast %mul3A_460 : i32 to index
      %get3A_538 = tpu.vector_load %arg7[%get3A_536, %get3A_537] {strides = array<i32>} : memref<16x640xi32, #tpu.memory_space<vmem>>, vector<16xi32>,
      %add3A_539 = arith.addi %add3A_534, %get3A_538 : vector<16xi32>
      %convert_element_type3A_540 = arith.sitofp %add3A_539 : vector<16xi32> to vector<16xf32>
      %add3A_541 = arith.addf %convert_element_type3A_540, %get3A_359 : vector<16xf32>
      %swap3A_542 = arith.index_cast %mul3A_460 : i32 to index
      %swap3A_543 = tpu.vector_load %arg8[%swap3A_542] {strides = array<i32>} : memref<640xf32, #tpu.memory_space<vmem>>, vector<16xf32>,
      tpu.vector_store %arg8[%swap3A_542], %add3A_541 {strides = array<i32>} : memref<640xf32, #tpu.memory_space<vmem>>, vector<16xf32>,
      %scan3A_544 = arith.constant 0 : i32
      %scan3A_545 = arith.constant 2 : i32
      %scan3A_546 = arith.addi %scan3A_371, %scan3A_545 : i32
      %mul3A_547 = arith.constant 16 : i32
      %mul3A_548 = arith.muli %scan3A_546, %mul3A_547 : i32
      %get3A_549 = arith.constant 0 : i32
      %get3A_550 = arith.index_cast %get3A_549 : i32 to index
      %get3A_551 = arith.index_cast %mul3A_548 : i32 to index
      %get3A_552 = tpu.vector_load %arg7[%get3A_550, %get3A_551] {strides = array<i32>} : memref<16x640xi32, #tpu.memory_space<vmem>>, vector<16xi32>,
      %get3A_553 = arith.constant 1 : i32
      %get3A_554 = arith.index_cast %get3A_553 : i32 to index
      %get3A_555 = arith.index_cast %mul3A_548 : i32 to index
      %get3A_556 = tpu.vector_load %arg7[%get3A_554, %get3A_555] {strides = array<i32>} : memref<16x640xi32, #tpu.memory_space<vmem>>, vector<16xi32>,
      %add3A_557 = arith.addi %get3A_552, %get3A_556 : vector<16xi32>
      %get3A_558 = arith.constant 2 : i32
      %get3A_559 = arith.index_cast %get3A_558 : i32 to index
      %get3A_560 = arith.index_cast %mul3A_548 : i32 to index
      %get3A_561 = tpu.vector_load %arg7[%get3A_559, %get3A_560] {strides = array<i32>} : memref<16x640xi32, #tpu.memory_space<vmem>>, vector<16xi32>,
      %add3A_562 = arith.addi %add3A_557, %get3A_561 : vector<16xi32>
      %get3A_563 = arith.constant 3 : i32
      %get3A_564 = arith.index_cast %get3A_563 : i32 to index
      %get3A_565 = arith.index_cast %mul3A_548 : i32 to index
      %get3A_566 = tpu.vector_load %arg7[%get3A_564, %get3A_565] {strides = array<i32>} : memref<16x640xi32, #tpu.memory_space<vmem>>, vector<16xi32>,
      %add3A_567 = arith.addi %add3A_562, %get3A_566 : vector<16xi32>
      %get3A_568 = arith.constant 4 : i32
      %get3A_569 = arith.index_cast %get3A_568 : i32 to index
      %get3A_570 = arith.index_cast %mul3A_548 : i32 to index
      %get3A_571 = tpu.vector_load %arg7[%get3A_569, %get3A_570] {strides = array<i32>} : memref<16x640xi32, #tpu.memory_space<vmem>>, vector<16xi32>,
      %add3A_572 = arith.addi %add3A_567, %get3A_571 : vector<16xi32>
      %get3A_573 = arith.constant 5 : i32
      %get3A_574 = arith.index_cast %get3A_573 : i32 to index
      %get3A_575 = arith.index_cast %mul3A_548 : i32 to index
      %get3A_576 = tpu.vector_load %arg7[%get3A_574, %get3A_575] {strides = array<i32>} : memref<16x640xi32, #tpu.memory_space<vmem>>, vector<16xi32>,
      %add3A_577 = arith.addi %add3A_572, %get3A_576 : vector<16xi32>
      %get3A_578 = arith.constant 6 : i32
      %get3A_579 = arith.index_cast %get3A_578 : i32 to index
      %get3A_580 = arith.index_cast %mul3A_548 : i32 to index
      %get3A_581 = tpu.vector_load %arg7[%get3A_579, %get3A_580] {strides = array<i32>} : memref<16x640xi32, #tpu.memory_space<vmem>>, vector<16xi32>,
      %add3A_582 = arith.addi %add3A_577, %get3A_581 : vector<16xi32>
      %get3A_583 = arith.constant 7 : i32
      %get3A_584 = arith.index_cast %get3A_583 : i32 to index
      %get3A_585 = arith.index_cast %mul3A_548 : i32 to index
      %get3A_586 = tpu.vector_load %arg7[%get3A_584, %get3A_585] {strides = array<i32>} : memref<16x640xi32, #tpu.memory_space<vmem>>, vector<16xi32>,
      %add3A_587 = arith.addi %add3A_582, %get3A_586 : vector<16xi32>
      %get3A_588 = arith.constant 8 : i32
      %get3A_589 = arith.index_cast %get3A_588 : i32 to index
      %get3A_590 = arith.index_cast %mul3A_548 : i32 to index
      %get3A_591 = tpu.vector_load %arg7[%get3A_589, %get3A_590] {strides = array<i32>} : memref<16x640xi32, #tpu.memory_space<vmem>>, vector<16xi32>,
      %add3A_592 = arith.addi %add3A_587, %get3A_591 : vector<16xi32>
      %get3A_593 = arith.constant 9 : i32
      %get3A_594 = arith.index_cast %get3A_593 : i32 to index
      %get3A_595 = arith.index_cast %mul3A_548 : i32 to index
      %get3A_596 = tpu.vector_load %arg7[%get3A_594, %get3A_595] {strides = array<i32>} : memref<16x640xi32, #tpu.memory_space<vmem>>, vector<16xi32>,
      %add3A_597 = arith.addi %add3A_592, %get3A_596 : vector<16xi32>
      %get3A_598 = arith.constant 10 : i32
      %get3A_599 = arith.index_cast %get3A_598 : i32 to index
      %get3A_600 = arith.index_cast %mul3A_548 : i32 to index
      %get3A_601 = tpu.vector_load %arg7[%get3A_599, %get3A_600] {strides = array<i32>} : memref<16x640xi32, #tpu.memory_space<vmem>>, vector<16xi32>,
      %add3A_602 = arith.addi %add3A_597, %get3A_601 : vector<16xi32>
      %get3A_603 = arith.constant 11 : i32
      %get3A_604 = arith.index_cast %get3A_603 : i32 to index
      %get3A_605 = arith.index_cast %mul3A_548 : i32 to index
      %get3A_606 = tpu.vector_load %arg7[%get3A_604, %get3A_605] {strides = array<i32>} : memref<16x640xi32, #tpu.memory_space<vmem>>, vector<16xi32>,
      %add3A_607 = arith.addi %add3A_602, %get3A_606 : vector<16xi32>
      %get3A_608 = arith.constant 12 : i32
      %get3A_609 = arith.index_cast %get3A_608 : i32 to index
      %get3A_610 = arith.index_cast %mul3A_548 : i32 to index
      %get3A_611 = tpu.vector_load %arg7[%get3A_609, %get3A_610] {strides = array<i32>} : memref<16x640xi32, #tpu.memory_space<vmem>>, vector<16xi32>,
      %add3A_612 = arith.addi %add3A_607, %get3A_611 : vector<16xi32>
      %get3A_613 = arith.constant 13 : i32
      %get3A_614 = arith.index_cast %get3A_613 : i32 to index
      %get3A_615 = arith.index_cast %mul3A_548 : i32 to index
      %get3A_616 = tpu.vector_load %arg7[%get3A_614, %get3A_615] {strides = array<i32>} : memref<16x640xi32, #tpu.memory_space<vmem>>, vector<16xi32>,
      %add3A_617 = arith.addi %add3A_612, %get3A_616 : vector<16xi32>
      %get3A_618 = arith.constant 14 : i32
      %get3A_619 = arith.index_cast %get3A_618 : i32 to index
      %get3A_620 = arith.index_cast %mul3A_548 : i32 to index
      %get3A_621 = tpu.vector_load %arg7[%get3A_619, %get3A_620] {strides = array<i32>} : memref<16x640xi32, #tpu.memory_space<vmem>>, vector<16xi32>,
      %add3A_622 = arith.addi %add3A_617, %get3A_621 : vector<16xi32>
      %get3A_623 = arith.constant 15 : i32
      %get3A_624 = arith.index_cast %get3A_623 : i32 to index
      %get3A_625 = arith.index_cast %mul3A_548 : i32 to index
      %get3A_626 = tpu.vector_load %arg7[%get3A_624, %get3A_625] {strides = array<i32>} : memref<16x640xi32, #tpu.memory_space<vmem>>, vector<16xi32>,
      %add3A_627 = arith.addi %add3A_622, %get3A_626 : vector<16xi32>
      %convert_element_type3A_628 = arith.sitofp %add3A_627 : vector<16xi32> to vector<16xf32>
      %add3A_629 = arith.addf %convert_element_type3A_628, %get3A_359 : vector<16xf32>
      %swap3A_630 = arith.index_cast %mul3A_548 : i32 to index
      %swap3A_631 = tpu.vector_load %arg8[%swap3A_630] {strides = array<i32>} : memref<640xf32, #tpu.memory_space<vmem>>, vector<16xf32>,
      tpu.vector_store %arg8[%swap3A_630], %add3A_629 {strides = array<i32>} : memref<640xf32, #tpu.memory_space<vmem>>, vector<16xf32>,
      %scan3A_632 = arith.constant 0 : i32
      %scan3A_633 = arith.constant 3 : i32
      %scan3A_634 = arith.addi %scan3A_371, %scan3A_633 : i32
      %mul3A_635 = arith.constant 16 : i32
      %mul3A_636 = arith.muli %scan3A_634, %mul3A_635 : i32
      %get3A_637 = arith.constant 0 : i32
      %get3A_638 = arith.index_cast %get3A_637 : i32 to index
      %get3A_639 = arith.index_cast %mul3A_636 : i32 to index
      %get3A_640 = tpu.vector_load %arg7[%get3A_638, %get3A_639] {strides = array<i32>} : memref<16x640xi32, #tpu.memory_space<vmem>>, vector<16xi32>,
      %get3A_641 = arith.constant 1 : i32
      %get3A_642 = arith.index_cast %get3A_641 : i32 to index
      %get3A_643 = arith.index_cast %mul3A_636 : i32 to index
      %get3A_644 = tpu.vector_load %arg7[%get3A_642, %get3A_643] {strides = array<i32>} : memref<16x640xi32, #tpu.memory_space<vmem>>, vector<16xi32>,
      %add3A_645 = arith.addi %get3A_640, %get3A_644 : vector<16xi32>
      %get3A_646 = arith.constant 2 : i32
      %get3A_647 = arith.index_cast %get3A_646 : i32 to index
      %get3A_648 = arith.index_cast %mul3A_636 : i32 to index
      %get3A_649 = tpu.vector_load %arg7[%get3A_647, %get3A_648] {strides = array<i32>} : memref<16x640xi32, #tpu.memory_space<vmem>>, vector<16xi32>,
      %add3A_650 = arith.addi %add3A_645, %get3A_649 : vector<16xi32>
      %get3A_651 = arith.constant 3 : i32
      %get3A_652 = arith.index_cast %get3A_651 : i32 to index
      %get3A_653 = arith.index_cast %mul3A_636 : i32 to index
      %get3A_654 = tpu.vector_load %arg7[%get3A_652, %get3A_653] {strides = array<i32>} : memref<16x640xi32, #tpu.memory_space<vmem>>, vector<16xi32>,
      %add3A_655 = arith.addi %add3A_650, %get3A_654 : vector<16xi32>
      %get3A_656 = arith.constant 4 : i32
      %get3A_657 = arith.index_cast %get3A_656 : i32 to index
      %get3A_658 = arith.index_cast %mul3A_636 : i32 to index
      %get3A_659 = tpu.vector_load %arg7[%get3A_657, %get3A_658] {strides = array<i32>} : memref<16x640xi32, #tpu.memory_space<vmem>>, vector<16xi32>,
      %add3A_660 = arith.addi %add3A_655, %get3A_659 : vector<16xi32>
      %get3A_661 = arith.constant 5 : i32
      %get3A_662 = arith.index_cast %get3A_661 : i32 to index
      %get3A_663 = arith.index_cast %mul3A_636 : i32 to index
      %get3A_664 = tpu.vector_load %arg7[%get3A_662, %get3A_663] {strides = array<i32>} : memref<16x640xi32, #tpu.memory_space<vmem>>, vector<16xi32>,
      %add3A_665 = arith.addi %add3A_660, %get3A_664 : vector<16xi32>
      %get3A_666 = arith.constant 6 : i32
      %get3A_667 = arith.index_cast %get3A_666 : i32 to index
      %get3A_668 = arith.index_cast %mul3A_636 : i32 to index
      %get3A_669 = tpu.vector_load %arg7[%get3A_667, %get3A_668] {strides = array<i32>} : memref<16x640xi32, #tpu.memory_space<vmem>>, vector<16xi32>,
      %add3A_670 = arith.addi %add3A_665, %get3A_669 : vector<16xi32>
      %get3A_671 = arith.constant 7 : i32
      %get3A_672 = arith.index_cast %get3A_671 : i32 to index
      %get3A_673 = arith.index_cast %mul3A_636 : i32 to index
      %get3A_674 = tpu.vector_load %arg7[%get3A_672, %get3A_673] {strides = array<i32>} : memref<16x640xi32, #tpu.memory_space<vmem>>, vector<16xi32>,
      %add3A_675 = arith.addi %add3A_670, %get3A_674 : vector<16xi32>
      %get3A_676 = arith.constant 8 : i32
      %get3A_677 = arith.index_cast %get3A_676 : i32 to index
      %get3A_678 = arith.index_cast %mul3A_636 : i32 to index
      %get3A_679 = tpu.vector_load %arg7[%get3A_677, %get3A_678] {strides = array<i32>} : memref<16x640xi32, #tpu.memory_space<vmem>>, vector<16xi32>,
      %add3A_680 = arith.addi %add3A_675, %get3A_679 : vector<16xi32>
      %get3A_681 = arith.constant 9 : i32
      %get3A_682 = arith.index_cast %get3A_681 : i32 to index
      %get3A_683 = arith.index_cast %mul3A_636 : i32 to index
      %get3A_684 = tpu.vector_load %arg7[%get3A_682, %get3A_683] {strides = array<i32>} : memref<16x640xi32, #tpu.memory_space<vmem>>, vector<16xi32>,
      %add3A_685 = arith.addi %add3A_680, %get3A_684 : vector<16xi32>
      %get3A_686 = arith.constant 10 : i32
      %get3A_687 = arith.index_cast %get3A_686 : i32 to index
      %get3A_688 = arith.index_cast %mul3A_636 : i32 to index
      %get3A_689 = tpu.vector_load %arg7[%get3A_687, %get3A_688] {strides = array<i32>} : memref<16x640xi32, #tpu.memory_space<vmem>>, vector<16xi32>,
      %add3A_690 = arith.addi %add3A_685, %get3A_689 : vector<16xi32>
      %get3A_691 = arith.constant 11 : i32
      %get3A_692 = arith.index_cast %get3A_691 : i32 to index
      %get3A_693 = arith.index_cast %mul3A_636 : i32 to index
      %get3A_694 = tpu.vector_load %arg7[%get3A_692, %get3A_693] {strides = array<i32>} : memref<16x640xi32, #tpu.memory_space<vmem>>, vector<16xi32>,
      %add3A_695 = arith.addi %add3A_690, %get3A_694 : vector<16xi32>
      %get3A_696 = arith.constant 12 : i32
      %get3A_697 = arith.index_cast %get3A_696 : i32 to index
      %get3A_698 = arith.index_cast %mul3A_636 : i32 to index
      %get3A_699 = tpu.vector_load %arg7[%get3A_697, %get3A_698] {strides = array<i32>} : memref<16x640xi32, #tpu.memory_space<vmem>>, vector<16xi32>,
      %add3A_700 = arith.addi %add3A_695, %get3A_699 : vector<16xi32>
      %get3A_701 = arith.constant 13 : i32
      %get3A_702 = arith.index_cast %get3A_701 : i32 to index
      %get3A_703 = arith.index_cast %mul3A_636 : i32 to index
      %get3A_704 = tpu.vector_load %arg7[%get3A_702, %get3A_703] {strides = array<i32>} : memref<16x640xi32, #tpu.memory_space<vmem>>, vector<16xi32>,
      %add3A_705 = arith.addi %add3A_700, %get3A_704 : vector<16xi32>
      %get3A_706 = arith.constant 14 : i32
      %get3A_707 = arith.index_cast %get3A_706 : i32 to index
      %get3A_708 = arith.index_cast %mul3A_636 : i32 to index
      %get3A_709 = tpu.vector_load %arg7[%get3A_707, %get3A_708] {strides = array<i32>} : memref<16x640xi32, #tpu.memory_space<vmem>>, vector<16xi32>,
      %add3A_710 = arith.addi %add3A_705, %get3A_709 : vector<16xi32>
      %get3A_711 = arith.constant 15 : i32
      %get3A_712 = arith.index_cast %get3A_711 : i32 to index
      %get3A_713 = arith.index_cast %mul3A_636 : i32 to index
      %get3A_714 = tpu.vector_load %arg7[%get3A_712, %get3A_713] {strides = array<i32>} : memref<16x640xi32, #tpu.memory_space<vmem>>, vector<16xi32>,
      %add3A_715 = arith.addi %add3A_710, %get3A_714 : vector<16xi32>
      %convert_element_type3A_716 = arith.sitofp %add3A_715 : vector<16xi32> to vector<16xf32>
      %add3A_717 = arith.addf %convert_element_type3A_716, %get3A_359 : vector<16xf32>
      %swap3A_718 = arith.index_cast %mul3A_636 : i32 to index
      %swap3A_719 = tpu.vector_load %arg8[%swap3A_718] {strides = array<i32>} : memref<640xf32, #tpu.memory_space<vmem>>, vector<16xf32>,
      tpu.vector_store %arg8[%swap3A_718], %add3A_717 {strides = array<i32>} : memref<640xf32, #tpu.memory_space<vmem>>, vector<16xf32>,
      %scan3A_720 = arith.constant 0 : i32
      scf.yield %scan3A_720 : i32
    }
    %scan3A_366 = arith.constant 40 : i32
    %mul3A_367 = arith.constant 10240 : i32
    %mul3A_368 = arith.muli %arg0, %mul3A_367 : i32
    %add3A_369 = arith.addi %mul3A_368, %multiple_of3A_22 : i32
    %multiple_of3A_370 = tpu.assume_multiple %add3A_369, 8 : i32
    "tpu.region"() ({
      %run_scoped3A = tpu.sem_alloc : memref<!tpu.dma_semaphore, #tpu.memory_space<semaphore_mem>>
      %dma_start3A_371 = tpu.memref_slice %arg4[%multiple_of3A_370] : memref<20480xf32, #tpu.memory_space<hbm>> -> memref<640xf32, #tpu.memory_space<hbm>>
      %dma_start3A_372 = tpu.memref_slice %arg4[%multiple_of3A_370] : memref<20480xf32, #tpu.memory_space<hbm>> -> memref<640xf32, #tpu.memory_space<hbm>>
      tpu.enqueue_dma source(%arg8 : memref<640xf32, #tpu.memory_space<vmem>>) target(%dma_start3A_372 : memref<640xf32, #tpu.memory_space<hbm>>) target_semaphore(%run_scoped3A : memref<!tpu.dma_semaphore, #tpu.memory_space<semaphore_mem>>)
      %dma_wait3A_373 = tpu.memref_slice %arg4[%multiple_of3A_370] : memref<20480xf32, #tpu.memory_space<hbm>> -> memref<640xf32, #tpu.memory_space<hbm>>
      %dma_wait3A_374 = tpu.memref_slice %arg4[%multiple_of3A_370] : memref<20480xf32, #tpu.memory_space<hbm>> -> memref<640xf32, #tpu.memory_space<hbm>>
      tpu.wait_dma2 semaphore(%run_scoped3A : memref<!tpu.dma_semaphore, #tpu.memory_space<semaphore_mem>>) src(%arg8 : memref<640xf32, #tpu.memory_space<vmem>>) dst(%dma_wait3A_374 : memref<640xf32, #tpu.memory_space<hbm>>)
      tpu.yield
    }) : () -> ()
    return
  }
}

#map = affine_map<(d0, d1) -> (0)>
module attributes {stable_mosaic.version = 14 : i64} {
  func.func @gather(%arg0: i32, %arg1: i32, %arg2: memref<20480xf32, #tpu.memory_space<hbm>>, %arg3: memref<640000xi32, #tpu.memory_space<hbm>>, %arg4: memref<320000xf32, #tpu.memory_space<hbm>>, %arg5: memref<10240xf32, #tpu.memory_space<vmem>>, %arg6: memref<10240xf32, #tpu.memory_space<vmem>>, %arg7: memref<10000xi32, #tpu.memory_space<vmem>>, %arg8: memref<10000xi32, #tpu.memory_space<vmem>>, %arg9: memref<10000xf32, #tpu.memory_space<vmem>>, %arg10: memref<!tpu.dma_semaphore, #tpu.memory_space<semaphore_mem>>) attributes {dimension_semantics = [#tpu.dimension_semantics<core_parallel>, #tpu.dimension_semantics<subcore_parallel>], iteration_bounds = array<i64: 2, 16>, scalar_prefetch = 0 : i64, scratch_operands = 6 : i64, tpu.core_type = #tpu.core_type<sc_vector_subcore>, window_params = [{transform_indices = #map}, {transform_indices = #map}, {transform_indices = #map}]} {
    %mul3A = arith.constant 2 : i32
    %mul3A_0 = arith.muli %arg1, %mul3A : i32
    %add3A = arith.addi %mul3A_0, %arg0 : i32
    %mul3A_1 = arith.constant 10000 : i32
    %mul3A_2 = arith.muli %add3A, %mul3A_1 : i32
    %multiple_of3A = tpu.assume_multiple %mul3A_2, 8 : i32
    %dma_start3A = arith.constant 0 : i32
    %dma_start3A_3 = tpu.memref_slice %arg2[%dma_start3A] : memref<20480xf32, #tpu.memory_space<hbm>> -> memref<10240xf32, #tpu.memory_space<hbm>>
    %dma_start3A_4 = arith.constant 0 : i32
    %dma_start3A_5 = tpu.memref_slice %arg2[%dma_start3A_4] : memref<20480xf32, #tpu.memory_space<hbm>> -> memref<10240xf32, #tpu.memory_space<hbm>>
    tpu.enqueue_dma source(%dma_start3A_5 : memref<10240xf32, #tpu.memory_space<hbm>>) target(%arg5 : memref<10240xf32, #tpu.memory_space<vmem>>) target_semaphore(%arg10 : memref<!tpu.dma_semaphore, #tpu.memory_space<semaphore_mem>>)
    %dma_start3A_6 = arith.constant 10240 : i32
    %dma_start3A_7 = tpu.memref_slice %arg2[%dma_start3A_6] : memref<20480xf32, #tpu.memory_space<hbm>> -> memref<10240xf32, #tpu.memory_space<hbm>>
    %dma_start3A_8 = arith.constant 10240 : i32
    %dma_start3A_9 = tpu.memref_slice %arg2[%dma_start3A_8] : memref<20480xf32, #tpu.memory_space<hbm>> -> memref<10240xf32, #tpu.memory_space<hbm>>
    tpu.enqueue_dma source(%dma_start3A_9 : memref<10240xf32, #tpu.memory_space<hbm>>) target(%arg6 : memref<10240xf32, #tpu.memory_space<vmem>>) target_semaphore(%arg10 : memref<!tpu.dma_semaphore, #tpu.memory_space<semaphore_mem>>)
    %add3A_10 = arith.constant 320000 : i32
    %add3A_11 = arith.addi %add3A_10, %multiple_of3A : i32
    %dma_start3A_12 = tpu.memref_slice %arg3[%add3A_11] : memref<640000xi32, #tpu.memory_space<hbm>> -> memref<10000xi32, #tpu.memory_space<hbm>>
    %dma_start3A_13 = tpu.memref_slice %arg3[%add3A_11] : memref<640000xi32, #tpu.memory_space<hbm>> -> memref<10000xi32, #tpu.memory_space<hbm>>
    tpu.enqueue_dma source(%dma_start3A_13 : memref<10000xi32, #tpu.memory_space<hbm>>) target(%arg7 : memref<10000xi32, #tpu.memory_space<vmem>>) target_semaphore(%arg10 : memref<!tpu.dma_semaphore, #tpu.memory_space<semaphore_mem>>)
    %dma_start3A_14 = tpu.memref_slice %arg3[%multiple_of3A] : memref<640000xi32, #tpu.memory_space<hbm>> -> memref<10000xi32, #tpu.memory_space<hbm>>
    %dma_start3A_15 = tpu.memref_slice %arg3[%multiple_of3A] : memref<640000xi32, #tpu.memory_space<hbm>> -> memref<10000xi32, #tpu.memory_space<hbm>>
    tpu.enqueue_dma source(%dma_start3A_15 : memref<10000xi32, #tpu.memory_space<hbm>>) target(%arg8 : memref<10000xi32, #tpu.memory_space<vmem>>) target_semaphore(%arg10 : memref<!tpu.dma_semaphore, #tpu.memory_space<semaphore_mem>>)
    %dma_wait3A = arith.constant 0 : i32
    %dma_wait3A_16 = tpu.memref_slice %arg2[%dma_wait3A] : memref<20480xf32, #tpu.memory_space<hbm>> -> memref<10240xf32, #tpu.memory_space<hbm>>
    %dma_wait3A_17 = arith.constant 0 : i32
    %dma_wait3A_18 = tpu.memref_slice %arg2[%dma_wait3A_17] : memref<20480xf32, #tpu.memory_space<hbm>> -> memref<10240xf32, #tpu.memory_space<hbm>>
    tpu.wait_dma2 semaphore(%arg10 : memref<!tpu.dma_semaphore, #tpu.memory_space<semaphore_mem>>) src(%dma_wait3A_18 : memref<10240xf32, #tpu.memory_space<hbm>>) dst(%arg5 : memref<10240xf32, #tpu.memory_space<vmem>>)
    %dma_wait3A_19 = arith.constant 10240 : i32
    %dma_wait3A_20 = tpu.memref_slice %arg2[%dma_wait3A_19] : memref<20480xf32, #tpu.memory_space<hbm>> -> memref<10240xf32, #tpu.memory_space<hbm>>
    %dma_wait3A_21 = arith.constant 10240 : i32
    %dma_wait3A_22 = tpu.memref_slice %arg2[%dma_wait3A_21] : memref<20480xf32, #tpu.memory_space<hbm>> -> memref<10240xf32, #tpu.memory_space<hbm>>
    tpu.wait_dma2 semaphore(%arg10 : memref<!tpu.dma_semaphore, #tpu.memory_space<semaphore_mem>>) src(%dma_wait3A_22 : memref<10240xf32, #tpu.memory_space<hbm>>) dst(%arg6 : memref<10240xf32, #tpu.memory_space<vmem>>)
    %dma_wait3A_23 = tpu.memref_slice %arg3[%add3A_11] : memref<640000xi32, #tpu.memory_space<hbm>> -> memref<10000xi32, #tpu.memory_space<hbm>>
    %dma_wait3A_24 = tpu.memref_slice %arg3[%add3A_11] : memref<640000xi32, #tpu.memory_space<hbm>> -> memref<10000xi32, #tpu.memory_space<hbm>>
    tpu.wait_dma2 semaphore(%arg10 : memref<!tpu.dma_semaphore, #tpu.memory_space<semaphore_mem>>) src(%dma_wait3A_24 : memref<10000xi32, #tpu.memory_space<hbm>>) dst(%arg7 : memref<10000xi32, #tpu.memory_space<vmem>>)
    %dma_wait3A_25 = tpu.memref_slice %arg3[%multiple_of3A] : memref<640000xi32, #tpu.memory_space<hbm>> -> memref<10000xi32, #tpu.memory_space<hbm>>
    %dma_wait3A_26 = tpu.memref_slice %arg3[%multiple_of3A] : memref<640000xi32, #tpu.memory_space<hbm>> -> memref<10000xi32, #tpu.memory_space<hbm>>
    tpu.wait_dma2 semaphore(%arg10 : memref<!tpu.dma_semaphore, #tpu.memory_space<semaphore_mem>>) src(%dma_wait3A_26 : memref<10000xi32, #tpu.memory_space<hbm>>) dst(%arg8 : memref<10000xi32, #tpu.memory_space<vmem>>)
    %parallel_loop3A = arith.constant 0 : i32
    %parallel_loop3A_27 = arith.constant 625 : i32
    %parallel_loop3A_28 = arith.constant 1 : i32
    scf.for %parallel_loop3A_29 = %parallel_loop3A to %parallel_loop3A_27 step %parallel_loop3A_28  : i32 {
      %parallel_loop3A_30 = arith.constant 16 : i32
      %parallel_loop3A_31 = arith.muli %parallel_loop3A_29, %parallel_loop3A_30 : i32
      %parallel_loop3A_32 = arith.index_cast %parallel_loop3A_31 : i32 to index
      %parallel_loop3A_33 = tpu.vector_load %arg7[%parallel_loop3A_32] {strides = array<i32>} : memref<10000xi32, #tpu.memory_space<vmem>>, vector<16xi32>,
      %parallel_loop3A_34 = tpu.vector_load_idx %arg5[%parallel_loop3A_33] : memref<10240xf32, #tpu.memory_space<vmem>>[vector<16xi32>], vector<16xf32>,
      %parallel_loop3A_35 = arith.index_cast %parallel_loop3A_31 : i32 to index
      %parallel_loop3A_36 = tpu.vector_load %arg8[%parallel_loop3A_35] {strides = array<i32>} : memref<10000xi32, #tpu.memory_space<vmem>>, vector<16xi32>,
      %parallel_loop3A_37 = tpu.vector_load_idx %arg6[%parallel_loop3A_36] : memref<10240xf32, #tpu.memory_space<vmem>>[vector<16xi32>], vector<16xf32>,
      %parallel_loop3A_38 = arith.constant 2.000000e+00 : f32
      %parallel_loop3A_39 = vector.broadcast %parallel_loop3A_38 : f32 to vector<16xf32>
      %parallel_loop3A_40 = arith.mulf %parallel_loop3A_39, %parallel_loop3A_34 : vector<16xf32>
      %parallel_loop3A_41 = arith.mulf %parallel_loop3A_40, %parallel_loop3A_37 : vector<16xf32>
      %parallel_loop3A_42 = arith.addf %parallel_loop3A_34, %parallel_loop3A_37 : vector<16xf32>
      %parallel_loop3A_43 = arith.divf %parallel_loop3A_41, %parallel_loop3A_42 : vector<16xf32>
      %parallel_loop3A_44 = arith.index_cast %parallel_loop3A_31 : i32 to index
      %parallel_loop3A_45 = tpu.vector_load %arg9[%parallel_loop3A_44] {strides = array<i32>} : memref<10000xf32, #tpu.memory_space<vmem>>, vector<16xf32>,
      tpu.vector_store %arg9[%parallel_loop3A_44], %parallel_loop3A_43 {strides = array<i32>} : memref<10000xf32, #tpu.memory_space<vmem>>, vector<16xf32>,
    } {sc.loop_unroll_factor = 8 : i64, sc.parallel_access}
    "tpu.region"() ({
      %run_scoped3A = tpu.sem_alloc : memref<!tpu.dma_semaphore, #tpu.memory_space<semaphore_mem>>
      %dma_start3A_29 = tpu.memref_slice %arg4[%multiple_of3A] : memref<320000xf32, #tpu.memory_space<hbm>> -> memref<10000xf32, #tpu.memory_space<hbm>>
      %dma_start3A_30 = tpu.memref_slice %arg4[%multiple_of3A] : memref<320000xf32, #tpu.memory_space<hbm>> -> memref<10000xf32, #tpu.memory_space<hbm>>
      tpu.enqueue_dma source(%arg9 : memref<10000xf32, #tpu.memory_space<vmem>>) target(%dma_start3A_30 : memref<10000xf32, #tpu.memory_space<hbm>>) target_semaphore(%run_scoped3A : memref<!tpu.dma_semaphore, #tpu.memory_space<semaphore_mem>>)
      %dma_wait3A_31 = tpu.memref_slice %arg4[%multiple_of3A] : memref<320000xf32, #tpu.memory_space<hbm>> -> memref<10000xf32, #tpu.memory_space<hbm>>
      %dma_wait3A_32 = tpu.memref_slice %arg4[%multiple_of3A] : memref<320000xf32, #tpu.memory_space<hbm>> -> memref<10000xf32, #tpu.memory_space<hbm>>
      tpu.wait_dma2 semaphore(%run_scoped3A : memref<!tpu.dma_semaphore, #tpu.memory_space<semaphore_mem>>) src(%arg9 : memref<10000xf32, #tpu.memory_space<vmem>>) dst(%dma_wait3A_32 : memref<10000xf32, #tpu.memory_space<hbm>>)
      tpu.yield
    }) : () -> ()
    return
  }
}

</mosaic_0001>

<sc_bundles>
// kernel: kernel.4.cloned.1.call-start
scs
__scs_entry_jumppad:
0x0: {  	(pc) =	sbr.rel $0x88, $3  }
0x1: {  	(tag) =	ssettag $0x0;
	lr =	simm.s32 $0x1  }
0x2: {  	[smem:$0x3F9E] =	sst lr;
	_ =	strace $0xD0000000  }
0x3: {  	_ = 	snop  }
0x4: {  	_ = 	snop  }
0x5: {  	_ = 	snop  }
0x6: {  	_ = 	snop  }
0x7: {  	_ = 	snop  }
__scs_overlays_trampoline_lowered:
0x8: {  	[smem:$0x3FAD] =	sst s0  }
0x9: {  	[smem:$0x3FAE] =	sst s1  }
0xa: {  	[smem:$0x3FAF] =	sst s2  }
0xb: {  	[smem:$0x3FB0] =	sst s3  }
0xc: {  	[smem:$0x3FB1] =	sst s4  }
0xd: {  	[smem:$0x3FB2] =	sst s5  }
0xe: {  	[smem:$0x3FB3] =	sst s6  }
0xf: {  	[smem:$0x3FB4] =	sst s7  }
0x10: {  	[smem:$0x3FB5] =	sst s8  }
0x11: {  	[smem:$0x3FB6] =	sst s9;
	s0 =	simm.s32 @!p0 $0x0  }
0x12: {  	s1 =	sld [smem:$0x3F9C];
	s0 =	simm.s32 @p0 $0x1  }
0x13: {  	[smem:$0x3FB7] =	sst s0;
	s0 =	simm.s32 @!p1 $0x0  }
0x14: {  	s2 =	sld [smem:$0x3F9B];
	s0 =	simm.s32 @p1 $0x1  }
0x15: {  	[smem:$0x3FB8] =	sst s0;
	s0 =	simm.s32 @!p2 $0x0  }
0x16: {  	s3 =	sld [smem:$0x3FDB];
	s0 =	simm.s32 @p2 $0x1  }
0x17: {  	s4 =	simm.s32 $0x1BF5;
	[smem:$0x3FBA] =	sst s0  }
0x18: {  	s0 =	sld [smem:$0x3F9D];
	_ =	swait.ge [sflag:s4], $0x0  }
0x19: {  	s7 =	sld [smem:$0x3F9E]  }
0x1a: {  	s8 =	sadd.s32 $0xFFFFE003, lr  }
0x1b: {  	s9 =	sadd.s32 $0xFFFFFEF7, lr;
	s5 =	simm.s32 $0xFFFFFFFF;
	p2 =	slt.u32 s8, $0xFFFFF086  }
0x1c: {  	p1 =	slt.u32 s9, $0xF7A;
	s5 =	simm.s32 @!p2 $0x0  }
0x1d: {  	s5 =	simm.s32 @p1 $0x1;
	p0 =	seq.s32 s7, s2  }
0x1e: {  	s7 =	smul.u32 @!p0 $0xF7A, s2;
	p2 =	seq.s32 @!p0 s5, $0x0  }
0x1f: {  	s9 =	smul.u32 $0xF7A, s1;
	s8 =	simm.s32 @!p0 $0x1BF5;
	p2 =	por !p2, p0  }
0x20: {  	[sflag:s8] =	ssyncset.s32 @!p0 $0xFFFFF086;
	s6 =	sadd.s32 @!p0 s3, s7;
	s7 =	simm.s32 @!p0 $0x108  }
0x21: {  	s3 =	sadd.s32 s3, s9;
	s6 =	sadd.s32 @!p0 $0x88, s6;
	s7 =	simm.s32 @p2 $0x1082  }
0x22: {  	[simem:s7], [sflag:s8] =	dma.local @!p0 [hbm:s6], $0xF7A  }
0x23: {  	s9 =	sor.u32 $0xD0000000, s2;
	s6 =	simm.s32 $0x108;
	_ =	swait.ge @!p0 [sflag:s8], $0x0  }
0x24: {  	s3 =	sadd.s32 $0x88, s3;
	s6 =	simm.s32 @!p1 $0x1082;
	[sflag:s4] =	ssyncset.s32 $0xFFFFF086  }
0x25: {  	[simem:s6], [sflag:s4] =	dma.local [hbm:s3], $0xF7A  }
0x26: {  	[smem:$0x3F9E] =	sst s1;
	(tag) =	ssettag s2;
	_ =	strace s9  }
0x27: {  	s1 =	sld [smem:$0x3FAE]  }
0x28: {  	s2 =	sld [smem:$0x3FAF]  }
0x29: {  	s4 =	sld [smem:$0x3FB1]  }
0x2a: {  	p0 =	seq.s32 s5, $0x0;
	s5 =	sld [smem:$0x3FB2]  }
0x2b: {  	s6 =	sld [smem:$0x3FB3]  }
0x2c: {  	s7 =	sld [smem:$0x3FB4]  }
0x2d: {  	s3 =	simm.s32 $0x108;
	s8 =	sld [smem:$0x3FB5]  }
0x2e: {  	s3 =	simm.s32 @!p0 $0x1082;
	s9 =	sld [smem:$0x3FB6]  }
0x2f: {  	lr =	sadd.s32 s0, s3;
	s0 =	sld [smem:$0x3FAD]  }
0x30: {  	s3 =	sld [smem:$0x3FB0]  }
0x31: {  	[smem:$0x3FB9] =	sst s10  }
0x32: {  	s10 =	sld [smem:$0x3FB7];
	_ =	sdelay $0x3  }
0x33: {  	p0 =	seq.s32 s10, $0x1;
	s10 =	sld [smem:$0x3FB9];
	_ =	sdelay $0x3  }
0x34: {  	[smem:$0x3FB9] =	sst s10  }
0x35: {  	s10 =	sld [smem:$0x3FB8];
	_ =	sdelay $0x3  }
0x36: {  	p1 =	seq.s32 s10, $0x1;
	s10 =	sld [smem:$0x3FB9];
	_ =	sdelay $0x3  }
0x37: {  	[smem:$0x3FB9] =	sst s10  }
0x38: {  	s10 =	sld [smem:$0x3FBA]  }
0x39: {  	_ = 	snop;
	(pc) =	sbr.ind lr, $3  }
0x3a: {  	_ = 	snop  }
0x3b: {  	_ = 	snop  }
0x3c: {  	p2 =	seq.s32 s10, $0x1;
	s10 =	sld [smem:$0x3FB9]  }
0x3d: {  	_ =	shalt  }
0x3e: {  	_ =	shalt  }
0x3f: {  	_ =	shalt  }
0x40: {  	_ =	shalt  }
0x41: {  	_ =	shalt  }
0x42: {  	_ =	shalt  }
0x43: {  	_ =	shalt  }
0x44: {  	_ =	shalt  }
0x45: {  	_ =	shalt  }
0x46: {  	_ =	shalt  }
0x47: {  	_ =	shalt  }
0x48: {  	_ =	shalt  }
0x49: {  	_ =	shalt  }
0x4a: {  	_ =	shalt  }
0x4b: {  	_ =	shalt  }
0x4c: {  	_ =	shalt  }
0x4d: {  	_ =	shalt  }
0x4e: {  	_ =	shalt  }
0x4f: {  	_ =	shalt  }
0x50: {  	_ =	shalt  }
0x51: {  	_ =	shalt  }
0x52: {  	_ =	shalt  }
0x53: {  	_ =	shalt  }
0x54: {  	_ =	shalt  }
0x55: {  	_ =	shalt  }
0x56: {  	_ =	shalt  }
0x57: {  	_ =	shalt  }
0x58: {  	_ =	shalt  }
0x59: {  	_ =	shalt  }
0x5a: {  	_ =	shalt  }
0x5b: {  	_ =	shalt  }
0x5c: {  	_ =	shalt  }
0x5d: {  	_ =	shalt  }
0x5e: {  	_ =	shalt  }
0x5f: {  	_ =	shalt  }
0x60: {  	_ =	shalt  }
0x61: {  	_ =	shalt  }
0x62: {  	_ =	shalt  }
0x63: {  	_ =	shalt  }
0x64: {  	_ =	shalt  }
0x65: {  	_ =	shalt  }
0x66: {  	_ =	shalt  }
0x67: {  	_ =	shalt  }
0x68: {  	_ =	shalt  }
0x69: {  	_ =	shalt  }
0x6a: {  	_ =	shalt  }
0x6b: {  	_ =	shalt  }
0x6c: {  	_ =	shalt  }
0x6d: {  	_ =	shalt  }
0x6e: {  	_ =	shalt  }
0x6f: {  	_ =	shalt  }
0x70: {  	_ =	shalt  }
0x71: {  	_ =	shalt  }
0x72: {  	_ =	shalt  }
0x73: {  	_ =	shalt  }
0x74: {  	_ =	shalt  }
0x75: {  	_ =	shalt  }
0x76: {  	_ =	shalt  }
0x77: {  	_ =	shalt  }
0x78: {  	_ =	shalt  }
0x79: {  	_ =	shalt  }
0x7a: {  	_ =	shalt  }
0x7b: {  	_ =	shalt  }
0x7c: {  	_ =	shalt  }
0x7d: {  	_ =	shalt  }
0x7e: {  	_ =	shalt  }
0x7f: {  	_ =	shalt  }
0x80: {  	_ =	shalt  }
0x81: {  	_ =	shalt  }
0x82: {  	_ =	shalt  }
0x83: {  	_ =	shalt  }
0x84: {  	_ =	shalt  }
0x85: {  	_ =	shalt  }
0x86: {  	_ =	shalt  }
0x87: {  	_ =	shalt  }
.Lfunc_end0:
.L_simem_size_0:
called_computation_lowered:
.L_overlay_start_0:
0x88: {  	s2 =	sld [smem:$0x3FD9]  }
0x89: {  	s3 =	sld [smem:$0x3FFE];
	_ =	sdelay $0x1  }
0x8a: {  	s1 =	srdreg.scid  }
0x8b: {  	s0 =	sand.u32 $0x1, s1  }
0x8c: {  	s17 =	sshll.u32 s0, $0xA;
	s2 =	sadd.s32 s3, s2  }
0x8d: {  	s2 =	sadd.s32 s2, s17  }
0x8e: {  	[smem:$0x3FC5] =	sst s2  }
0x8f: {  	_ = 	snop  }
0x90: {  	s2 =	sld [smem:$0x3FD0];
	(tm) =	ssettm $0x1  }
0x91: {  	s18 =	sld [smem:$0x3FFB];
	_ =	sdelay $0x3  }
0x92: {  	_ =	strace s18  }
0x93: {  	s3 =	sld [smem:$0x3FFC];
	_ =	sdelay $0x3  }
0x94: {  	_ =	strace s3  }
0x95: {  	s3 =	sld [smem:$0x3FFD];
	_ =	sdelay $0x3  }
0x96: {  	_ =	strace s3  }
0x97: {  	_ =	strace $0x8FFFFFFF  }
0x98: {  	s19 =	sld [smem:$0x3FDB];
	_ =	sdelay $0x1  }
0x99: {  	s4 =	simm.s32 $_scs_section_size  }
0x9a: {  	s5 =	simm.s32 $_size__tile_overlayer_lowered;
	s6 =	simm.s32 $_tile_overlayer_lowered  }
0x9b: {  	s22 =	simm.s32 $0x1BFF;
	s21 =	sshll.u32 s6, $0x1;
	s3 =	sadd.s32 s4, s19  }
0x9c: {  	s7 =	simm.s32 $0x0;
	s20 =	sshll.u32 s5, $0x1;
	s5 =	sadd.s32 s21, s3  }
0x9d: {  	[timem:s7], [sflag:s22] =	dma.local [hbm:s5], s20  }
0x9e: {  	_ =	swait.ge [sflag:s22], s20  }
0x9f: {  	s4 =	ssub.s32 $0x0, s20;
	[sflag:s22] =	ssyncset.done $0x0  }
0xa0: {  	[sflag:s22] =	ssyncadd.s32 s4;
	_ =	sdelay $0x1  }
0xa1: {  	s23 =	simm.s32 $0x1B8B  }
0xa2: {  	_ =	swait.ge [sflag:s23], $0x1  }
0xa3: {  	[sflag:s23] =	ssyncset.done $0x0  }
0xa4: {  	s25 =	simm.s32 $0x1B8E;
	s24 =	sld [smem:$0x3FFE];
	[sflag:s23] =	ssyncadd.s32 $0xFFFFFFFF  }
0xa5: {  	s26 =	simm.s32 $execute0_lowered;
	[smem:$0x3FD2] =	sst s25  }
0xa6: {  	s5 =	sshll.u32 s26, $0x1;
	_ =	strace $0x80000046;
	[dreg:$0x1] =	wrdreg $0xFFFFFFFF  }
0xa7: {  	s28 =	simm.s32 $_size_execute0_lowered;
	s3 =	sadd.s32 s3, s5;
	[dreg:$0x0] =	wrdreg $0x0  }
0xa8: {  	s5 =	sshll.u32 s28, $0x1;
	[dreg:$0x2] =	wrdreg s3  }
0xa9: {  	[dreg:$0x3] =	wrdreg s5  }
0xaa: {  	[dreg:$0x4] =	wrdreg $0xC0  }
0xab: {  	_ =	task [dreg:s7], $0x5FFFF  }
0xac: {  	[dreg:$0x1] =	wrdreg $0xFFFFFFFF  }
0xad: {  	[dreg:$0x0] =	wrdreg $0x60  }
0xae: {  	[dreg:$0x2] =	wrdreg s24  }
0xaf: {  	[dreg:$0x3] =	wrdreg s2  }
0xb0: {  	[dreg:$0x4] =	wrdreg $0xA1800  }
0xb1: {  	[dreg:$0x5] =	wrdreg $0x9  }
0xb2: {  	_ =	task.clear_ibuf [dreg:s7], $0x6FFFF;
	_ =	strace $0x90000046  }
0xb3: {  	s29 =	simm.s32 $0x9;
	_ =	strace $0x80000048  }
0xb4: {  	_ =	swait.ge [sflag:s29], $0x1  }
0xb5: {  	[sflag:s29] =	ssyncadd.s32 $0xFFFFFFFF  }
0xb6: {  	_ =	strace $0x90000048  }
0xb7: {  	_ =	sfence  }
0xb8: {  	s30 =	sld [smem:$0x0];
	_ =	sdelay $0x2  }
0xb9: {  	s31 =	sshll.u32 s1, $0xD;
	s1 =	sshrl.u32 s1, $0x2  }
0xba: {  	s3 =	sand.u32 $0x4000, s31;
	s1 =	sadd.s32 s1, s30  }
0xbb: {  	s0 =	sor.u32 s3, s0;
	s1 =	sshll.u32 s1, $0x11  }
0xbc: {  	s0 =	sor.u32 s1, s0  }
0xbd: {  	s0 =	sadd.s32 $0x8F2B, s0  }
0xbe: {  	[sflag:s0] =	ssyncadd.remote.s32 $0x1  }
0xbf: {  	_ =	sfence.sel $0xFFFF  }
0xc0: {  	[dreg:$0x0] =	wrdreg $0xFFFFFFFF;
	(pc) =	sbr.abs _section_cstart, $3  }
0xc1: {  	[dreg:$0x1] =	wrdreg $0xFFFFFFFF  }
0xc2: {  	_ =	task.clear_ibuf [dreg:s7], $0x2FFFF;
	_ =	strace $0x9FFFFFFF  }
0xc3: {  	(tm) =	ssettm $0x7FFFFFFF  }
tec
execute0_lowered:
.L_overlay_start_1:
0x0: {  	(tag) =	ssettag $0x1  }
0x1: {  	s0 =	srdreg.scid  }
0x2: {  	s1 =	rddreg [dreg:$0x0];
	s7 =	stileid.u32  }
0x3: {  	s3 =	rddreg [dreg:$0x2];
	s4 =	smul.u32 $0x4E20, s7  }
0x4: {  	s8 =	simm.s32 $0x0;
	s0 =	sand.u32 $0x1, s0;
	s5 =	smul.u32 $0x280, s7  }
0x5: {  	s2 =	sxor.u32 $0x1, s0;
	s6 =	smul.u32 $0x2800, s0;
	s0 =	ssub.s32 $0x2, s0  }
0x6: {  	[smem:$0x7FF] =	sst s8;
	s2 =	smul.u32 $0x4E200, s2;
	s31 =	sshrl.u32 s0, $0x1  }
0x7: {  	s7 =	smul.u32 $0xA000, s7;
	_ =	strace $0x80000047;
	s0 =	ssub.s32 s0, s31  }
0x8: {  	s30 =	sadd.s32 s5, s6;
	s2 =	sadd.s32 s4, s2;
	s0 =	smax.u32 s0, $0x1  }
0x9: {  	s4 =	sshrl.u32 s30, $0x3;
	s2 =	sshrl.u32 s2, $0x3;
	[smem:$0x7BD] =	sst s0  }
0xa: {  	s2 =	sadd.s32 s2, s1;
	s1 =	sadd.s32 s4, s1;
	s4 =	sadd.s32 s5, s3  }
0xb: {  	s2 =	sadd.s32 $0xA00, s2;
	[dreg:$0xe] =	wrdreg s4  }
0xc: {  	s6 =	sshrl.u32 s7, $0x2;
	s7 =	sadd.s32 $0x2800, s4;
	[dreg:$0xd] =	wrdreg s2  }
0xd: {  	s9 =	sadd.s32 $0x5000, s4;
	[dreg:$0x10] =	wrdreg s7  }
0xe: {  	s10 =	sadd.s32 $0x7800, s4;
	[dreg:$0x11] =	wrdreg s9  }
0xf: {  	s11 =	sadd.s32 $0xA000, s4;
	[dreg:$0x12] =	wrdreg s10  }
0x10: {  	s12 =	sadd.s32 $0xC800, s4;
	[dreg:$0x13] =	wrdreg s11  }
0x11: {  	s13 =	sadd.s32 $0xF000, s4;
	[dreg:$0x14] =	wrdreg s12  }
0x12: {  	s14 =	sadd.s32 $0x11800, s4;
	[dreg:$0x15] =	wrdreg s13  }
0x13: {  	s15 =	sadd.s32 $0x14000, s4;
	[dreg:$0x16] =	wrdreg s14  }
0x14: {  	s16 =	sadd.s32 $0x16800, s4;
	[dreg:$0x17] =	wrdreg s15  }
0x15: {  	s17 =	sadd.s32 $0x19000, s4;
	[dreg:$0x18] =	wrdreg s16  }
0x16: {  	s18 =	sadd.s32 $0x1B800, s4;
	[dreg:$0x19] =	wrdreg s17  }
0x17: {  	s19 =	sadd.s32 $0x1E000, s4;
	[dreg:$0x1a] =	wrdreg s18  }
0x18: {  	s20 =	sadd.s32 $0x20800, s4;
	[dreg:$0x1b] =	wrdreg s19  }
0x19: {  	s21 =	sadd.s32 $0x23000, s4;
	[dreg:$0x1c] =	wrdreg s20  }
0x1a: {  	s22 =	sadd.s32 $0x25800, s4;
	[dreg:$0x1d] =	wrdreg s21  }
0x1b: {  	s1 =	sadd.s32 $0x14400, s1;
	[dreg:$0x1e] =	wrdreg s22  }
0x1c: {  	s23 =	sadd.s32 $0x80, s4;
	[dreg:$0x1f] =	wrdreg s1  }
0x1d: {  	s24 =	sadd.s32 $0x100, s4;
	[smem:$0x7BE] =	sst s23  }
0x1e: {  	s25 =	sadd.s32 $0x180, s4;
	[smem:$0x7BF] =	sst s24  }
0x1f: {  	s26 =	sadd.s32 $0x200, s4;
	[smem:$0x7C0] =	sst s25  }
0x20: {  	s28 =	sadd.s32 $0x2880, s4;
	[smem:$0x7C1] =	sst s26  }
0x21: {  	s29 =	sadd.s32 $0x2900, s4;
	[smem:$0x7C2] =	sst s28  }
0x22: {  	s30 =	sadd.s32 $0x2980, s4;
	[smem:$0x7C3] =	sst s29  }
0x23: {  	s31 =	sadd.s32 $0x2A00, s4;
	[smem:$0x7C4] =	sst s30  }
0x24: {  	s5 =	sadd.s32 $0x5200, s4;
	[smem:$0x7C5] =	sst s31  }
0x25: {  	s2 =	sadd.s32 s6, s3;
	[smem:$0x7C9] =	sst s5  }
0x26: {  	s1 =	sadd.s32 $0x5080, s4;
	[dreg:$0xf] =	wrdreg s2  }
0x27: {  	s3 =	sadd.s32 $0x5180, s4;
	[smem:$0x7C6] =	sst s1  }
0x28: {  	s6 =	sadd.s32 $0x7880, s4;
	[smem:$0x7C8] =	sst s3  }
0x29: {  	s7 =	sadd.s32 $0x7900, s4;
	[smem:$0x7CA] =	sst s6  }
0x2a: {  	s9 =	sadd.s32 $0x7980, s4;
	[smem:$0x7CB] =	sst s7  }
0x2b: {  	s10 =	sadd.s32 $0x7A00, s4;
	[smem:$0x7CC] =	sst s9  }
0x2c: {  	s11 =	sadd.s32 $0xA080, s4;
	[smem:$0x7CD] =	sst s10  }
0x2d: {  	s12 =	sadd.s32 $0xA100, s4;
	[smem:$0x7CE] =	sst s11  }
0x2e: {  	s13 =	sadd.s32 $0xA180, s4;
	[smem:$0x7CF] =	sst s12  }
0x2f: {  	s14 =	sadd.s32 $0xA200, s4;
	[smem:$0x7D0] =	sst s13  }
0x30: {  	s15 =	sadd.s32 $0xC880, s4;
	[smem:$0x7D1] =	sst s14  }
0x31: {  	s16 =	sadd.s32 $0xC900, s4;
	[smem:$0x7D2] =	sst s15  }
0x32: {  	s17 =	sadd.s32 $0xC980, s4;
	[smem:$0x7D3] =	sst s16  }
0x33: {  	s18 =	sadd.s32 $0xCA00, s4;
	[smem:$0x7D4] =	sst s17  }
0x34: {  	s19 =	sadd.s32 $0xF080, s4;
	[smem:$0x7D5] =	sst s18  }
0x35: {  	s20 =	sadd.s32 $0xF100, s4;
	[smem:$0x7D6] =	sst s19  }
0x36: {  	s21 =	sadd.s32 $0xF180, s4;
	[smem:$0x7D7] =	sst s20  }
0x37: {  	s22 =	sadd.s32 $0xF200, s4;
	[smem:$0x7D8] =	sst s21  }
0x38: {  	s23 =	sadd.s32 $0x11880, s4;
	[smem:$0x7D9] =	sst s22  }
0x39: {  	s24 =	sadd.s32 $0x11900, s4;
	[smem:$0x7DA] =	sst s23  }
0x3a: {  	s25 =	sadd.s32 $0x11980, s4;
	[smem:$0x7DB] =	sst s24  }
0x3b: {  	s26 =	sadd.s32 $0x11A00, s4;
	[smem:$0x7DC] =	sst s25  }
0x3c: {  	s28 =	sadd.s32 $0x14080, s4;
	[smem:$0x7DD] =	sst s26  }
0x3d: {  	s29 =	sadd.s32 $0x14100, s4;
	[smem:$0x7DE] =	sst s28  }
0x3e: {  	s30 =	sadd.s32 $0x14180, s4;
	[smem:$0x7DF] =	sst s29  }
0x3f: {  	s31 =	sadd.s32 $0x14200, s4;
	[smem:$0x7E0] =	sst s30  }
0x40: {  	s5 =	sadd.s32 $0x16A00, s4;
	[smem:$0x7E1] =	sst s31  }
0x41: {  	s2 =	sadd.s32 $0x5100, s4;
	[smem:$0x7E5] =	sst s5  }
0x42: {  	s1 =	sadd.s32 $0x16880, s4;
	[smem:$0x7C7] =	sst s2  }
0x43: {  	s3 =	sadd.s32 $0x16980, s4;
	[smem:$0x7E2] =	sst s1  }
0x44: {  	s6 =	sadd.s32 $0x19080, s4;
	[smem:$0x7E4] =	sst s3  }
0x45: {  	s7 =	sadd.s32 $0x19100, s4;
	[smem:$0x7E6] =	sst s6  }
0x46: {  	s9 =	sadd.s32 $0x19180, s4;
	[smem:$0x7E7] =	sst s7  }
0x47: {  	s10 =	sadd.s32 $0x19200, s4;
	[smem:$0x7E8] =	sst s9  }
0x48: {  	s11 =	sadd.s32 $0x1B880, s4;
	[smem:$0x7E9] =	sst s10  }
0x49: {  	s12 =	sadd.s32 $0x1B900, s4;
	[smem:$0x7EA] =	sst s11  }
0x4a: {  	s13 =	sadd.s32 $0x1B980, s4;
	[smem:$0x7EB] =	sst s12  }
0x4b: {  	s14 =	sadd.s32 $0x1BA00, s4;
	[smem:$0x7EC] =	sst s13  }
0x4c: {  	s15 =	sadd.s32 $0x1E080, s4;
	[smem:$0x7ED] =	sst s14  }
0x4d: {  	s16 =	sadd.s32 $0x1E100, s4;
	[smem:$0x7EE] =	sst s15  }
0x4e: {  	s17 =	sadd.s32 $0x1E180, s4;
	[smem:$0x7EF] =	sst s16  }
0x4f: {  	s18 =	sadd.s32 $0x1E200, s4;
	[smem:$0x7F0] =	sst s17  }
0x50: {  	s19 =	sadd.s32 $0x20880, s4;
	[smem:$0x7F1] =	sst s18  }
0x51: {  	s20 =	sadd.s32 $0x20900, s4;
	[smem:$0x7F2] =	sst s19  }
0x52: {  	s21 =	sadd.s32 $0x20980, s4;
	[smem:$0x7F3] =	sst s20  }
0x53: {  	s22 =	sadd.s32 $0x20A00, s4;
	[smem:$0x7F4] =	sst s21  }
0x54: {  	s23 =	sadd.s32 $0x23080, s4;
	[smem:$0x7F5] =	sst s22  }
0x55: {  	s24 =	sadd.s32 $0x23100, s4;
	[smem:$0x7F6] =	sst s23  }
0x56: {  	s25 =	sadd.s32 $0x23180, s4;
	[smem:$0x7F7] =	sst s24  }
0x57: {  	s26 =	sadd.s32 $0x23200, s4;
	[smem:$0x7F8] =	sst s25  }
0x58: {  	s28 =	sadd.s32 $0x25880, s4;
	[smem:$0x7F9] =	sst s26  }
0x59: {  	s29 =	sadd.s32 $0x25900, s4;
	[smem:$0x7FA] =	sst s28  }
0x5a: {  	s30 =	sadd.s32 $0x25980, s4;
	[smem:$0x7FB] =	sst s29  }
0x5b: {  	s31 =	sadd.s32 $0x25A00, s4;
	s2 =	sadd.s32 $0x16900, s4;
	[smem:$0x7FC] =	sst s30  }
0x5c: {  	[smem:$0x7FD] =	sst s31;
	s3 =	simm.s32 $0x4E80;
	s4 =	simm.s32 $0x2  }
0x5d: {  	v0 =	vimm.s32 $0x0;
	v1 =	vimm.s32 $0x1;
	s1 =	simm.s32 $0x0;
	[smem:$0x7E3] =	sst s2;
	s2 =	simm.s32 $0x1  }
.LBB2_1:
0x5e: {  	s0 =	rddreg [dreg:$0xd]  }
0x5f: {  	[tilespmem:s8], [sflag:$0x1] =	stream.linear.gather [hbm4b:s0+s8], $0x4E20, $0x38;
	[tilespmem:$0xC980] =	vst v63  }
0x60: {  	s30 =	rddreg [dreg:$0x1];
	s31 =	simm.s32 $0xA100;
	s0 =	simm.s32 $0x4EC0  }
0x61: {  	[tilespmem:s31], [sflag:$0x1] =	stream.linear.gather [hbm4b:s30+s8], $0x80, $0x38;
	[tilespmem:$0xC980] =	vst v63  }
0x62: {  	[tilespmem:s0+$0xFFFFFFC0] =	vst v0  }
0x63: {  	[tilespmem:s0+$0x30] =	vst v0  }
0x64: {  	[tilespmem:s0+$0x20] =	vst v0  }
0x65: {  	[tilespmem:s0+$0x10] =	vst v0  }
0x66: {  	[tilespmem:s0+$0x0] =	vst v0  }
0x67: {  	[tilespmem:s0+$0xFFFFFFF0] =	vst v0  }
0x68: {  	[smem:$0x7BC] =	sst s1;
	s1 =	simm.s32 $0x0;
	[tilespmem:s0+$0xFFFFFFE0] =	vst v0  }
.LBB2_2:
0x69: {  	s1 =	sadd.s32 $0x8, s1;
	[tilespmem:s0+$0xFFFFFFD0] =	vst v0;
	s0 =	sadd.s32 $0x80, s0  }
0x6a: {  	[tilespmem:s0+$0xFFFFFFC0] =	vst v0;
	p0 =	slt.u32 s1, $0x278  }
0x6b: {  	[tilespmem:s0+$0x30] =	vst v0  }
.Ltmp0:
0x6c: {  	[tilespmem:s0+$0x20] =	vst v0;
	(pc) =	sbr.rel @p0 .LBB2_2-.Ltmp0, $4  }
0x6d: {  	[tilespmem:s0+$0x10] =	vst v0  }
0x6e: {  	[tilespmem:s0+$0x0] =	vst v0  }
0x6f: {  	[tilespmem:s0+$0xFFFFFFF0] =	vst v0  }
0x70: {  	[tilespmem:s0+$0xFFFFFFE0] =	vst v0  }
0x71: {  	[tilespmem:s0+$0xFFFFFFD0] =	vst v0  }
0x72: {  	_ =	swait.ge [sflag:s2], $0x4E20  }
0x73: {  	[sflag:s2] =	ssyncset.done $0x0  }
0x74: {  	[sflag:s2] =	ssyncadd.s32 $0xFFFFB1E0  }
0x75: {  	_ =	swait.ge [sflag:s2], $0x80  }
0x76: {  	[sflag:s2] =	ssyncset.done $0x0  }
0x77: {  	s0 =	simm.s32 $0x40;
	[sflag:s2] =	ssyncadd.s32 $0xFFFFFF80  }
0x78: {  	v3 =	vld [tilespmem:s0+$0xFFFFFFC0]  }
0x79: {  	v4 =	vld [tilespmem:s0+$0x30]  }
0x7a: {  	v5 =	vld [tilespmem:s0+$0x20]  }
0x7b: {  	v6 =	vld [tilespmem:s0+$0x10]  }
0x7c: {  	v7 =	vld [tilespmem:s0+$0x0]  }
0x7d: {  	v8 =	vld [tilespmem:s0+$0xFFFFFFF0]  }
0x7e: {  	v9 =	vld [tilespmem:s0+$0xFFFFFFE0]  }
0x7f: {  	v2 =	vld [tilespmem:s0+$0xFFFFFFD0]  }
0x80: {  	[tilespmem:v3+s3+$0x0] =	vst.idx.add.s32.msk $0xffff, v1  }
0x81: {  	[tilespmem:v4+s3+$0x0] =	vst.idx.add.s32.msk $0xffff, v1  }
0x82: {  	[tilespmem:v5+s3+$0x0] =	vst.idx.add.s32.msk $0xffff, v1  }
0x83: {  	[tilespmem:v6+s3+$0x0] =	vst.idx.add.s32.msk $0xffff, v1  }
0x84: {  	[tilespmem:v7+s3+$0x0] =	vst.idx.add.s32.msk $0xffff, v1  }
0x85: {  	[tilespmem:v8+s3+$0x0] =	vst.idx.add.s32.msk $0xffff, v1  }
0x86: {  	s1 =	simm.s32 $0x0;
	[tilespmem:v9+s3+$0x0] =	vst.idx.add.s32.msk $0xffff, v1  }
.LBB2_4:
0x87: {  	s1 =	sadd.s32 $0x8, s1;
	[tilespmem:v2+s3+$0x0] =	vst.idx.add.s32.msk $0xffff, v1;
	s0 =	sadd.s32 $0x80, s0  }
0x88: {  	v3 =	vld [tilespmem:s0+$0xFFFFFFC0];
	p0 =	slt.u32 s1, $0x4D8  }
0x89: {  	v4 =	vld [tilespmem:s0+$0x30]  }
0x8a: {  	v5 =	vld [tilespmem:s0+$0x20]  }
0x8b: {  	v6 =	vld [tilespmem:s0+$0x10]  }
0x8c: {  	v7 =	vld [tilespmem:s0+$0x0]  }
0x8d: {  	v8 =	vld [tilespmem:s0+$0xFFFFFFF0]  }
0x8e: {  	v9 =	vld [tilespmem:s0+$0xFFFFFFE0]  }
0x8f: {  	v2 =	vld [tilespmem:s0+$0xFFFFFFD0]  }
0x90: {  	[tilespmem:v3+s3+$0x0] =	vst.idx.add.s32.msk $0xffff, v1  }
0x91: {  	[tilespmem:v4+s3+$0x0] =	vst.idx.add.s32.msk $0xffff, v1  }
.Ltmp1:
0x92: {  	[tilespmem:v5+s3+$0x0] =	vst.idx.add.s32.msk $0xffff, v1;
	(pc) =	sbr.rel @p0 .LBB2_4-.Ltmp1, $4  }
0x93: {  	[tilespmem:v6+s3+$0x0] =	vst.idx.add.s32.msk $0xffff, v1  }
0x94: {  	[tilespmem:v7+s3+$0x0] =	vst.idx.add.s32.msk $0xffff, v1  }
0x95: {  	[tilespmem:v8+s3+$0x0] =	vst.idx.add.s32.msk $0xffff, v1  }
0x96: {  	[tilespmem:v9+s3+$0x0] =	vst.idx.add.s32.msk $0xffff, v1  }
0x97: {  	_ =	sdelay $0x3  }
0x98: {  	[tilespmem:v2+s3+$0x0] =	vst.idx.add.s32.msk $0xffff, v1;
	s0 =	simm.s32 $0x0  }
.LBB2_6:
0x99: {  	s1 =	sshra.s32 s0, $0x2  }
0x9a: {  	v2 =	vld [tilespmem:s1+$0x4E00];
	_ =	sdelay $0x2  }
0x9b: {  	p0 =	sne.s32 s0, $0x40  }
.Ltmp2:
0x9c: {  	_ = 	snop;
	(pc) =	sbr.rel @p0 .LBB2_6-.Ltmp2, $2  }
0x9d: {  	_ =	sdelay $0x2  }
0x9e: {  	s0 =	sadd.s32 $0x40, s0;
	[tilespmem:v2+s3+$0x0] =	vst.idx.add.s32.msk $0xffff, v1  }
0x9f: {  	s0 =	rddreg [dreg:$0xf]  }
0xa0: {  	[spmem:s0] =	stream.linear.scatter [tilespmem:s3], [sflag:$0x2], $0x2800, $0x38;
	[tilespmem:$0xC980] =	vst v63  }
0xa1: {  	_ =	swait.ge [sflag:s4], $0x2800  }
0xa2: {  	[sflag:s4] =	ssyncset.done $0x0  }
0xa3: {  	[sflag:s4] =	ssyncadd.s32 $0xFFFFD800  }
0xa4: {  	[bflag:$0x0] =	sbarrier.arrive $0xFFFF  }
0xa5: {  	s6 =	rddreg [dreg:$0xe]  }
0xa6: {  	s1 =	simm.s32 $0x7680;
	s7 =	sld [smem:$0x7BE]  }
0xa7: {  	[tilespmem:s1], [sflag:$0x1] =	stream.linear.gather [spmem:s6], $0x80, $0x38;
	[tilespmem:$0xC980] =	vst v63  }
0xa8: {  	s8 =	simm.s32 $0x7A80;
	s9 =	sld [smem:$0x7BF]  }
0xa9: {  	[tilespmem:s8], [sflag:$0x1] =	stream.linear.gather [spmem:s7], $0x80, $0x38;
	[tilespmem:$0xC980] =	vst v63  }
0xaa: {  	s10 =	simm.s32 $0x7E80;
	s11 =	sld [smem:$0x7C0]  }
0xab: {  	[tilespmem:s10], [sflag:$0x1] =	stream.linear.gather [spmem:s9], $0x80, $0x38;
	[tilespmem:$0xC980] =	vst v63  }
0xac: {  	s12 =	simm.s32 $0x8280;
	s13 =	sld [smem:$0x7C1]  }
0xad: {  	[tilespmem:s12], [sflag:$0x1] =	stream.linear.gather [spmem:s11], $0x80, $0x38;
	[tilespmem:$0xC980] =	vst v63  }
0xae: {  	s14 =	simm.s32 $0x8680;
	s15 =	rddreg [dreg:$0x10]  }
0xaf: {  	[tilespmem:s14], [sflag:$0x1] =	stream.linear.gather [spmem:s13], $0x80, $0x38;
	[tilespmem:$0xC980] =	vst v63  }
0xb0: {  	s16 =	simm.s32 $0x7700;
	s17 =	sld [smem:$0x7C2]  }
0xb1: {  	[tilespmem:s16], [sflag:$0x1] =	stream.linear.gather [spmem:s15], $0x80, $0x38;
	[tilespmem:$0xC980] =	vst v63  }
0xb2: {  	s18 =	simm.s32 $0x7B00;
	s19 =	sld [smem:$0x7C3]  }
0xb3: {  	[tilespmem:s18], [sflag:$0x1] =	stream.linear.gather [spmem:s17], $0x80, $0x38;
	[tilespmem:$0xC980] =	vst v63  }
0xb4: {  	s20 =	simm.s32 $0x7F00;
	s21 =	sld [smem:$0x7C4]  }
0xb5: {  	[tilespmem:s20], [sflag:$0x1] =	stream.linear.gather [spmem:s19], $0x80, $0x38;
	[tilespmem:$0xC980] =	vst v63  }
0xb6: {  	s22 =	simm.s32 $0x8300;
	s23 =	sld [smem:$0x7C5]  }
0xb7: {  	[tilespmem:s22], [sflag:$0x1] =	stream.linear.gather [spmem:s21], $0x80, $0x38;
	[tilespmem:$0xC980] =	vst v63  }
0xb8: {  	s24 =	simm.s32 $0x8700;
	s25 =	rddreg [dreg:$0x11]  }
0xb9: {  	[tilespmem:s24], [sflag:$0x1] =	stream.linear.gather [spmem:s23], $0x80, $0x38;
	[tilespmem:$0xC980] =	vst v63  }
0xba: {  	s26 =	simm.s32 $0x7780;
	s28 =	sld [smem:$0x7C6]  }
0xbb: {  	[tilespmem:s26], [sflag:$0x1] =	stream.linear.gather [spmem:s25], $0x80, $0x38;
	[tilespmem:$0xC980] =	vst v63  }
0xbc: {  	s29 =	simm.s32 $0x7B80;
	s30 =	sld [smem:$0x7C7]  }
0xbd: {  	[tilespmem:s29], [sflag:$0x1] =	stream.linear.gather [spmem:s28], $0x80, $0x38;
	[tilespmem:$0xC980] =	vst v63  }
0xbe: {  	s31 =	simm.s32 $0x7F80;
	s3 =	sld [smem:$0x7C8]  }
0xbf: {  	[tilespmem:s31], [sflag:$0x1] =	stream.linear.gather [spmem:s30], $0x80, $0x38;
	[tilespmem:$0xC980] =	vst v63  }
0xc0: {  	s4 =	simm.s32 $0x8380;
	s5 =	sld [smem:$0x7C9]  }
0xc1: {  	[tilespmem:s4], [sflag:$0x1] =	stream.linear.gather [spmem:s3], $0x80, $0x38;
	[tilespmem:$0xC980] =	vst v63  }
0xc2: {  	s6 =	simm.s32 $0x8780;
	s7 =	rddreg [dreg:$0x12]  }
0xc3: {  	[tilespmem:s6], [sflag:$0x1] =	stream.linear.gather [spmem:s5], $0x80, $0x38;
	[tilespmem:$0xC980] =	vst v63  }
0xc4: {  	s8 =	simm.s32 $0x7800;
	s9 =	sld [smem:$0x7CA]  }
0xc5: {  	[tilespmem:s8], [sflag:$0x1] =	stream.linear.gather [spmem:s7], $0x80, $0x38;
	[tilespmem:$0xC980] =	vst v63  }
0xc6: {  	s10 =	simm.s32 $0x7C00;
	s11 =	sld [smem:$0x7CB]  }
0xc7: {  	[tilespmem:s10], [sflag:$0x1] =	stream.linear.gather [spmem:s9], $0x80, $0x38;
	[tilespmem:$0xC980] =	vst v63  }
0xc8: {  	s12 =	simm.s32 $0x8000;
	s13 =	sld [smem:$0x7CC]  }
0xc9: {  	[tilespmem:s12], [sflag:$0x1] =	stream.linear.gather [spmem:s11], $0x80, $0x38;
	[tilespmem:$0xC980] =	vst v63  }
0xca: {  	s14 =	simm.s32 $0x8400;
	s15 =	sld [smem:$0x7CD]  }
0xcb: {  	[tilespmem:s14], [sflag:$0x1] =	stream.linear.gather [spmem:s13], $0x80, $0x38;
	[tilespmem:$0xC980] =	vst v63  }
0xcc: {  	s16 =	simm.s32 $0x8800;
	s17 =	rddreg [dreg:$0x13]  }
0xcd: {  	[tilespmem:s16], [sflag:$0x1] =	stream.linear.gather [spmem:s15], $0x80, $0x38;
	[tilespmem:$0xC980] =	vst v63  }
0xce: {  	s18 =	simm.s32 $0x7880;
	s19 =	sld [smem:$0x7CE]  }
0xcf: {  	[tilespmem:s18], [sflag:$0x1] =	stream.linear.gather [spmem:s17], $0x80, $0x38;
	[tilespmem:$0xC980] =	vst v63  }
0xd0: {  	s20 =	simm.s32 $0x7C80;
	s21 =	sld [smem:$0x7CF]  }
0xd1: {  	[tilespmem:s20], [sflag:$0x1] =	stream.linear.gather [spmem:s19], $0x80, $0x38;
	[tilespmem:$0xC980] =	vst v63  }
0xd2: {  	s22 =	simm.s32 $0x8080;
	s23 =	sld [smem:$0x7D0]  }
0xd3: {  	[tilespmem:s22], [sflag:$0x1] =	stream.linear.gather [spmem:s21], $0x80, $0x38;
	[tilespmem:$0xC980] =	vst v63  }
0xd4: {  	s24 =	simm.s32 $0x8480;
	s25 =	sld [smem:$0x7D1]  }
0xd5: {  	[tilespmem:s24], [sflag:$0x1] =	stream.linear.gather [spmem:s23], $0x80, $0x38;
	[tilespmem:$0xC980] =	vst v63  }
0xd6: {  	s26 =	simm.s32 $0x8880;
	s28 =	rddreg [dreg:$0x14]  }
0xd7: {  	[tilespmem:s26], [sflag:$0x1] =	stream.linear.gather [spmem:s25], $0x80, $0x38;
	[tilespmem:$0xC980] =	vst v63  }
0xd8: {  	s29 =	simm.s32 $0x7900;
	s30 =	sld [smem:$0x7D2]  }
0xd9: {  	[tilespmem:s29], [sflag:$0x1] =	stream.linear.gather [spmem:s28], $0x80, $0x38;
	[tilespmem:$0xC980] =	vst v63  }
0xda: {  	s31 =	simm.s32 $0x7D00;
	s3 =	sld [smem:$0x7D3]  }
0xdb: {  	[tilespmem:s31], [sflag:$0x1] =	stream.linear.gather [spmem:s30], $0x80, $0x38;
	[tilespmem:$0xC980] =	vst v63  }
0xdc: {  	s4 =	simm.s32 $0x8100;
	s5 =	sld [smem:$0x7D4]  }
0xdd: {  	[tilespmem:s4], [sflag:$0x1] =	stream.linear.gather [spmem:s3], $0x80, $0x38;
	[tilespmem:$0xC980] =	vst v63  }
0xde: {  	s6 =	simm.s32 $0x8500;
	s7 =	sld [smem:$0x7D5]  }
0xdf: {  	[tilespmem:s6], [sflag:$0x1] =	stream.linear.gather [spmem:s5], $0x80, $0x38;
	[tilespmem:$0xC980] =	vst v63  }
0xe0: {  	s8 =	simm.s32 $0x8900;
	s9 =	rddreg [dreg:$0x15]  }
0xe1: {  	[tilespmem:s8], [sflag:$0x1] =	stream.linear.gather [spmem:s7], $0x80, $0x38;
	[tilespmem:$0xC980] =	vst v63  }
0xe2: {  	s10 =	simm.s32 $0x7980;
	s11 =	sld [smem:$0x7D6]  }
0xe3: {  	[tilespmem:s10], [sflag:$0x1] =	stream.linear.gather [spmem:s9], $0x80, $0x38;
	[tilespmem:$0xC980] =	vst v63  }
0xe4: {  	s12 =	simm.s32 $0x7D80;
	s13 =	sld [smem:$0x7D7]  }
0xe5: {  	[tilespmem:s12], [sflag:$0x1] =	stream.linear.gather [spmem:s11], $0x80, $0x38;
	[tilespmem:$0xC980] =	vst v63  }
0xe6: {  	s14 =	simm.s32 $0x8180;
	s15 =	sld [smem:$0x7D8]  }
0xe7: {  	[tilespmem:s14], [sflag:$0x1] =	stream.linear.gather [spmem:s13], $0x80, $0x38;
	[tilespmem:$0xC980] =	vst v63  }
0xe8: {  	s16 =	simm.s32 $0x8580;
	s17 =	sld [smem:$0x7D9]  }
0xe9: {  	[tilespmem:s16], [sflag:$0x1] =	stream.linear.gather [spmem:s15], $0x80, $0x38;
	[tilespmem:$0xC980] =	vst v63  }
0xea: {  	s18 =	simm.s32 $0x8980;
	s19 =	rddreg [dreg:$0x16]  }
0xeb: {  	[tilespmem:s18], [sflag:$0x1] =	stream.linear.gather [spmem:s17], $0x80, $0x38;
	[tilespmem:$0xC980] =	vst v63  }
0xec: {  	s20 =	simm.s32 $0x7A00;
	s21 =	sld [smem:$0x7DA]  }
0xed: {  	[tilespmem:s20], [sflag:$0x1] =	stream.linear.gather [spmem:s19], $0x80, $0x38;
	[tilespmem:$0xC980] =	vst v63  }
0xee: {  	s22 =	simm.s32 $0x7E00;
	s23 =	sld [smem:$0x7DB]  }
0xef: {  	[tilespmem:s22], [sflag:$0x1] =	stream.linear.gather [spmem:s21], $0x80, $0x38;
	[tilespmem:$0xC980] =	vst v63  }
0xf0: {  	s24 =	simm.s32 $0x8200;
	s25 =	sld [smem:$0x7DC]  }
0xf1: {  	[tilespmem:s24], [sflag:$0x1] =	stream.linear.gather [spmem:s23], $0x80, $0x38;
	[tilespmem:$0xC980] =	vst v63  }
0xf2: {  	s26 =	simm.s32 $0x8600;
	s28 =	sld [smem:$0x7DD]  }
0xf3: {  	[tilespmem:s26], [sflag:$0x1] =	stream.linear.gather [spmem:s25], $0x80, $0x38;
	[tilespmem:$0xC980] =	vst v63  }
0xf4: {  	s29 =	simm.s32 $0x8A00;
	s30 =	rddreg [dreg:$0x17]  }
0xf5: {  	[tilespmem:s29], [sflag:$0x1] =	stream.linear.gather [spmem:s28], $0x80, $0x38;
	[tilespmem:$0xC980] =	vst v63  }
0xf6: {  	s31 =	simm.s32 $0x8A80;
	s3 =	sld [smem:$0x7DE]  }
0xf7: {  	[tilespmem:s31], [sflag:$0x1] =	stream.linear.gather [spmem:s30], $0x80, $0x38;
	[tilespmem:$0xC980] =	vst v63  }
0xf8: {  	s4 =	simm.s32 $0x8E80;
	s5 =	sld [smem:$0x7DF]  }
0xf9: {  	[tilespmem:s4], [sflag:$0x1] =	stream.linear.gather [spmem:s3], $0x80, $0x38;
	[tilespmem:$0xC980] =	vst v63  }
0xfa: {  	s6 =	simm.s32 $0x9280;
	s7 =	sld [smem:$0x7E0]  }
0xfb: {  	[tilespmem:s6], [sflag:$0x1] =	stream.linear.gather [spmem:s5], $0x80, $0x38;
	[tilespmem:$0xC980] =	vst v63  }
0xfc: {  	s8 =	simm.s32 $0x9680;
	s9 =	sld [smem:$0x7E1]  }
0xfd: {  	[tilespmem:s8], [sflag:$0x1] =	stream.linear.gather [spmem:s7], $0x80, $0x38;
	[tilespmem:$0xC980] =	vst v63  }
0xfe: {  	s10 =	simm.s32 $0x9A80;
	s11 =	rddreg [dreg:$0x18]  }
0xff: {  	[tilespmem:s10], [sflag:$0x1] =	stream.linear.gather [spmem:s9], $0x80, $0x38;
	[tilespmem:$0xC980] =	vst v63  }
0x100: {  	s12 =	simm.s32 $0x8B00;
	s13 =	sld [smem:$0x7E2]  }
0x101: {  	[tilespmem:s12], [sflag:$0x1] =	stream.linear.gather [spmem:s11], $0x80, $0x38;
	[tilespmem:$0xC980] =	vst v63  }
0x102: {  	s14 =	simm.s32 $0x8F00;
	s15 =	sld [smem:$0x7E3]  }
0x103: {  	[tilespmem:s14], [sflag:$0x1] =	stream.linear.gather [spmem:s13], $0x80, $0x38;
	[tilespmem:$0xC980] =	vst v63  }
0x104: {  	s16 =	simm.s32 $0x9300;
	s17 =	sld [smem:$0x7E4]  }
0x105: {  	[tilespmem:s16], [sflag:$0x1] =	stream.linear.gather [spmem:s15], $0x80, $0x38;
	[tilespmem:$0xC980] =	vst v63  }
0x106: {  	s18 =	simm.s32 $0x9700;
	s19 =	sld [smem:$0x7E5]  }
0x107: {  	[tilespmem:s18], [sflag:$0x1] =	stream.linear.gather [spmem:s17], $0x80, $0x38;
	[tilespmem:$0xC980] =	vst v63  }
0x108: {  	s20 =	simm.s32 $0x9B00;
	s21 =	rddreg [dreg:$0x19]  }
0x109: {  	[tilespmem:s20], [sflag:$0x1] =	stream.linear.gather [spmem:s19], $0x80, $0x38;
	[tilespmem:$0xC980] =	vst v63  }
0x10a: {  	s22 =	simm.s32 $0x8B80;
	s23 =	sld [smem:$0x7E6]  }
0x10b: {  	[tilespmem:s22], [sflag:$0x1] =	stream.linear.gather [spmem:s21], $0x80, $0x38;
	[tilespmem:$0xC980] =	vst v63  }
0x10c: {  	s24 =	simm.s32 $0x8F80;
	s25 =	sld [smem:$0x7E7]  }
0x10d: {  	[tilespmem:s24], [sflag:$0x1] =	stream.linear.gather [spmem:s23], $0x80, $0x38;
	[tilespmem:$0xC980] =	vst v63  }
0x10e: {  	s26 =	simm.s32 $0x9380;
	s28 =	sld [smem:$0x7E8]  }
0x10f: {  	[tilespmem:s26], [sflag:$0x1] =	stream.linear.gather [spmem:s25], $0x80, $0x38;
	[tilespmem:$0xC980] =	vst v63  }
0x110: {  	s29 =	simm.s32 $0x9780;
	s30 =	sld [smem:$0x7E9]  }
0x111: {  	[tilespmem:s29], [sflag:$0x1] =	stream.linear.gather [spmem:s28], $0x80, $0x38;
	[tilespmem:$0xC980] =	vst v63  }
0x112: {  	s31 =	simm.s32 $0x9B80;
	s3 =	rddreg [dreg:$0x1a]  }
0x113: {  	[tilespmem:s31], [sflag:$0x1] =	stream.linear.gather [spmem:s30], $0x80, $0x38;
	[tilespmem:$0xC980] =	vst v63  }
0x114: {  	s4 =	simm.s32 $0x8C00;
	s5 =	sld [smem:$0x7EA]  }
0x115: {  	[tilespmem:s4], [sflag:$0x1] =	stream.linear.gather [spmem:s3], $0x80, $0x38;
	[tilespmem:$0xC980] =	vst v63  }
0x116: {  	s6 =	simm.s32 $0x9000;
	s7 =	sld [smem:$0x7EB]  }
0x117: {  	[tilespmem:s6], [sflag:$0x1] =	stream.linear.gather [spmem:s5], $0x80, $0x38;
	[tilespmem:$0xC980] =	vst v63  }
0x118: {  	s8 =	simm.s32 $0x9400;
	s9 =	sld [smem:$0x7EC]  }
0x119: {  	[tilespmem:s8], [sflag:$0x1] =	stream.linear.gather [spmem:s7], $0x80, $0x38;
	[tilespmem:$0xC980] =	vst v63  }
0x11a: {  	s10 =	simm.s32 $0x9800;
	s11 =	sld [smem:$0x7ED]  }
0x11b: {  	[tilespmem:s10], [sflag:$0x1] =	stream.linear.gather [spmem:s9], $0x80, $0x38;
	[tilespmem:$0xC980] =	vst v63  }
0x11c: {  	s12 =	simm.s32 $0x9C00;
	s13 =	rddreg [dreg:$0x1b]  }
0x11d: {  	[tilespmem:s12], [sflag:$0x1] =	stream.linear.gather [spmem:s11], $0x80, $0x38;
	[tilespmem:$0xC980] =	vst v63  }
0x11e: {  	s14 =	simm.s32 $0x8C80;
	s15 =	sld [smem:$0x7EE]  }
0x11f: {  	[tilespmem:s14], [sflag:$0x1] =	stream.linear.gather [spmem:s13], $0x80, $0x38;
	[tilespmem:$0xC980] =	vst v63  }
0x120: {  	s16 =	simm.s32 $0x9080;
	s17 =	sld [smem:$0x7EF]  }
0x121: {  	[tilespmem:s16], [sflag:$0x1] =	stream.linear.gather [spmem:s15], $0x80, $0x38;
	[tilespmem:$0xC980] =	vst v63  }
0x122: {  	s18 =	simm.s32 $0x9480;
	s19 =	sld [smem:$0x7F0]  }
0x123: {  	[tilespmem:s18], [sflag:$0x1] =	stream.linear.gather [spmem:s17], $0x80, $0x38;
	[tilespmem:$0xC980] =	vst v63  }
0x124: {  	s20 =	simm.s32 $0x9880;
	s21 =	sld [smem:$0x7F1]  }
0x125: {  	[tilespmem:s20], [sflag:$0x1] =	stream.linear.gather [spmem:s19], $0x80, $0x38;
	[tilespmem:$0xC980] =	vst v63  }
0x126: {  	s22 =	simm.s32 $0x9C80;
	s23 =	rddreg [dreg:$0x1c]  }
0x127: {  	[tilespmem:s22], [sflag:$0x1] =	stream.linear.gather [spmem:s21], $0x80, $0x38;
	[tilespmem:$0xC980] =	vst v63  }
0x128: {  	s24 =	simm.s32 $0x8D00;
	s25 =	sld [smem:$0x7F2]  }
0x129: {  	[tilespmem:s24], [sflag:$0x1] =	stream.linear.gather [spmem:s23], $0x80, $0x38;
	[tilespmem:$0xC980] =	vst v63  }
0x12a: {  	s26 =	simm.s32 $0x9100;
	s28 =	sld [smem:$0x7F3]  }
0x12b: {  	[tilespmem:s26], [sflag:$0x1] =	stream.linear.gather [spmem:s25], $0x80, $0x38;
	[tilespmem:$0xC980] =	vst v63  }
0x12c: {  	s29 =	simm.s32 $0x9500;
	s30 =	sld [smem:$0x7F4]  }
0x12d: {  	[tilespmem:s29], [sflag:$0x1] =	stream.linear.gather [spmem:s28], $0x80, $0x38;
	[tilespmem:$0xC980] =	vst v63  }
0x12e: {  	s31 =	simm.s32 $0x9900;
	s3 =	sld [smem:$0x7F5]  }
0x12f: {  	[tilespmem:s31], [sflag:$0x1] =	stream.linear.gather [spmem:s30], $0x80, $0x38;
	[tilespmem:$0xC980] =	vst v63  }
0x130: {  	s4 =	simm.s32 $0x9D00;
	s5 =	rddreg [dreg:$0x1d]  }
0x131: {  	[tilespmem:s4], [sflag:$0x1] =	stream.linear.gather [spmem:s3], $0x80, $0x38;
	[tilespmem:$0xC980] =	vst v63  }
0x132: {  	s6 =	simm.s32 $0x8D80;
	s7 =	sld [smem:$0x7F6]  }
0x133: {  	[tilespmem:s6], [sflag:$0x1] =	stream.linear.gather [spmem:s5], $0x80, $0x38;
	[tilespmem:$0xC980] =	vst v63  }
0x134: {  	s8 =	simm.s32 $0x9180;
	s9 =	sld [smem:$0x7F7]  }
0x135: {  	[tilespmem:s8], [sflag:$0x1] =	stream.linear.gather [spmem:s7], $0x80, $0x38;
	[tilespmem:$0xC980] =	vst v63  }
0x136: {  	s10 =	simm.s32 $0x9580;
	s11 =	sld [smem:$0x7F8]  }
0x137: {  	[tilespmem:s10], [sflag:$0x1] =	stream.linear.gather [spmem:s9], $0x80, $0x38;
	[tilespmem:$0xC980] =	vst v63  }
0x138: {  	s12 =	simm.s32 $0x9980;
	s13 =	sld [smem:$0x7F9]  }
0x139: {  	[tilespmem:s12], [sflag:$0x1] =	stream.linear.gather [spmem:s11], $0x80, $0x38;
	[tilespmem:$0xC980] =	vst v63  }
0x13a: {  	s14 =	simm.s32 $0x9D80;
	s15 =	rddreg [dreg:$0x1e]  }
0x13b: {  	[tilespmem:s14], [sflag:$0x1] =	stream.linear.gather [spmem:s13], $0x80, $0x38;
	[tilespmem:$0xC980] =	vst v63  }
0x13c: {  	s16 =	simm.s32 $0x8E00;
	s17 =	sld [smem:$0x7FA]  }
0x13d: {  	[tilespmem:s16], [sflag:$0x1] =	stream.linear.gather [spmem:s15], $0x80, $0x38;
	[tilespmem:$0xC980] =	vst v63  }
0x13e: {  	s18 =	simm.s32 $0x9200;
	s19 =	sld [smem:$0x7FB]  }
0x13f: {  	[tilespmem:s18], [sflag:$0x1] =	stream.linear.gather [spmem:s17], $0x80, $0x38;
	[tilespmem:$0xC980] =	vst v63  }
0x140: {  	s20 =	simm.s32 $0x9600;
	s21 =	sld [smem:$0x7FC]  }
0x141: {  	[tilespmem:s20], [sflag:$0x1] =	stream.linear.gather [spmem:s19], $0x80, $0x38;
	[tilespmem:$0xC980] =	vst v63  }
0x142: {  	s22 =	simm.s32 $0x9A00;
	s23 =	sld [smem:$0x7FD]  }
0x143: {  	[tilespmem:s22], [sflag:$0x1] =	stream.linear.gather [spmem:s21], $0x80, $0x38;
	[tilespmem:$0xC980] =	vst v63  }
0x144: {  	s24 =	simm.s32 $0x9E00  }
0x145: {  	[tilespmem:s24], [sflag:$0x1] =	stream.linear.gather [spmem:s23], $0x80, $0x38;
	[tilespmem:$0xC980] =	vst v63  }
0x146: {  	_ =	swait.ge [sflag:s2], $0x280  }
0x147: {  	[sflag:s2] =	ssyncset.done $0x0  }
0x148: {  	[sflag:s2] =	ssyncadd.s32 $0xFFFFFD80  }
0x149: {  	_ =	swait.ge [sflag:s2], $0x280  }
0x14a: {  	[sflag:s2] =	ssyncset.done $0x0  }
0x14b: {  	[sflag:s2] =	ssyncadd.s32 $0xFFFFFD80  }
0x14c: {  	_ =	swait.ge [sflag:s2], $0x280  }
0x14d: {  	[sflag:s2] =	ssyncset.done $0x0  }
0x14e: {  	[sflag:s2] =	ssyncadd.s32 $0xFFFFFD80  }
0x14f: {  	_ =	swait.ge [sflag:s2], $0x280  }
0x150: {  	[sflag:s2] =	ssyncset.done $0x0  }
0x151: {  	[sflag:s2] =	ssyncadd.s32 $0xFFFFFD80  }
0x152: {  	_ =	swait.ge [sflag:s2], $0x280  }
0x153: {  	[sflag:s2] =	ssyncset.done $0x0  }
0x154: {  	[sflag:s2] =	ssyncadd.s32 $0xFFFFFD80  }
0x155: {  	_ =	swait.ge [sflag:s2], $0x280  }
0x156: {  	[sflag:s2] =	ssyncset.done $0x0  }
0x157: {  	[sflag:s2] =	ssyncadd.s32 $0xFFFFFD80  }
0x158: {  	_ =	swait.ge [sflag:s2], $0x280  }
0x159: {  	[sflag:s2] =	ssyncset.done $0x0  }
0x15a: {  	[sflag:s2] =	ssyncadd.s32 $0xFFFFFD80  }
0x15b: {  	_ =	swait.ge [sflag:s2], $0x280  }
0x15c: {  	[sflag:s2] =	ssyncset.done $0x0  }
0x15d: {  	[sflag:s2] =	ssyncadd.s32 $0xFFFFFD80  }
0x15e: {  	_ =	swait.ge [sflag:s2], $0x280  }
0x15f: {  	[sflag:s2] =	ssyncset.done $0x0  }
0x160: {  	[sflag:s2] =	ssyncadd.s32 $0xFFFFFD80  }
0x161: {  	_ =	swait.ge [sflag:s2], $0x280  }
0x162: {  	[sflag:s2] =	ssyncset.done $0x0  }
0x163: {  	[sflag:s2] =	ssyncadd.s32 $0xFFFFFD80  }
0x164: {  	_ =	swait.ge [sflag:s2], $0x280  }
0x165: {  	[sflag:s2] =	ssyncset.done $0x0  }
0x166: {  	[sflag:s2] =	ssyncadd.s32 $0xFFFFFD80  }
0x167: {  	_ =	swait.ge [sflag:s2], $0x280  }
0x168: {  	[sflag:s2] =	ssyncset.done $0x0  }
0x169: {  	[sflag:s2] =	ssyncadd.s32 $0xFFFFFD80  }
0x16a: {  	_ =	swait.ge [sflag:s2], $0x280  }
0x16b: {  	[sflag:s2] =	ssyncset.done $0x0  }
0x16c: {  	[sflag:s2] =	ssyncadd.s32 $0xFFFFFD80  }
0x16d: {  	_ =	swait.ge [sflag:s2], $0x280  }
0x16e: {  	[sflag:s2] =	ssyncset.done $0x0  }
0x16f: {  	[sflag:s2] =	ssyncadd.s32 $0xFFFFFD80  }
0x170: {  	_ =	swait.ge [sflag:s2], $0x280  }
0x171: {  	[sflag:s2] =	ssyncset.done $0x0  }
0x172: {  	s3 =	simm.s32 $0x0;
	[sflag:s2] =	ssyncadd.s32 $0xFFFFFD80  }
0x173: {  	s25 =	sand.u32 $0x1C00, s3;
	_ =	swait.ge [sflag:s2], $0x280  }
0x174: {  	s7 =	sadd.s32 $0x7680, s25;
	s10 =	sand.u32 $0x40, s3;
	[sflag:s2] =	ssyncset.done $0x0  }
0x175: {  	s26 =	sor.u32 s10, s7;
	[sflag:s2] =	ssyncadd.s32 $0xFFFFFD80  }
0x176: {  	v2 =	vld [tilespmem:s26+$0x0]  }
0x177: {  	v3 =	vld [tilespmem:s26+$0x80]  }
0x178: {  	v4 =	vld [tilespmem:s26+$0x100]  }
0x179: {  	v5 =	vld [tilespmem:s26+$0x180]  }
0x17a: {  	v6 =	vld [tilespmem:s26+$0x200]  }
0x17b: {  	v7 =	vld [tilespmem:s26+$0x280]  }
0x17c: {  	s6 =	sadd.s32 $0x8A80, s25;
	v2 =	vadd.s32 v2, v3;
	v3 =	vld [tilespmem:s26+$0x300]  }
0x17d: {  	s8 =	sadd.s32 $0x8B00, s25;
	s28 =	sor.u32 s10, s6;
	v2 =	vadd.s32 v4, v2;
	v4 =	vld [tilespmem:s26+$0x380]  }
0x17e: {  	s29 =	sor.u32 s10, s8;
	s11 =	sadd.s32 $0x8B80, s25;
	v2 =	vadd.s32 v5, v2;
	v5 =	vld [tilespmem:s28+$0x0]  }
0x17f: {  	s12 =	sadd.s32 $0x8C00, s25;
	s30 =	sor.u32 s10, s11;
	v2 =	vadd.s32 v6, v2;
	v6 =	vld [tilespmem:s29+$0x0]  }
0x180: {  	s31 =	sor.u32 s10, s12;
	s14 =	sadd.s32 $0x8C80, s25;
	v2 =	vadd.s32 v7, v2;
	v7 =	vld [tilespmem:s30+$0x0]  }
0x181: {  	s4 =	sor.u32 s10, s14;
	s15 =	sadd.s32 $0x8D00, s25;
	v2 =	vadd.s32 v3, v2;
	v3 =	vld [tilespmem:s31+$0x0]  }
0x182: {  	s13 =	sadd.s32 $0x8D80, s25;
	s5 =	sor.u32 s10, s15;
	v2 =	vadd.s32 v4, v2;
	v4 =	vld [tilespmem:s4+$0x0]  }
0x183: {  	s9 =	sor.u32 s10, s13;
	s16 =	sadd.s32 $0x8E00, s25;
	v2 =	vadd.s32 v5, v2;
	v5 =	vld [tilespmem:s5+$0x0]  }
0x184: {  	s0 =	sor.u32 s10, s16;
	v2 =	vadd.s32 v6, v2;
	v6 =	vld [tilespmem:s9+$0x0]  }
0x185: {  	v2 =	vadd.s32 v7, v2;
	v7 =	vld [tilespmem:s0+$0x0]  }
0x186: {  	v2 =	vadd.s32 v3, v2  }
0x187: {  	v3 =	vadd.s32 v4, v2  }
0x188: {  	v2 =	vld [tilespmem:$0xA100];
	v3 =	vadd.s32 v5, v3  }
0x189: {  	v3 =	vadd.s32 v6, v3  }
0x18a: {  	v3 =	vadd.s32 v7, v3  }
0x18b: {  	v3 =	vcvt.s32.f32 v3;
	_ =	sdelay $0x1  }
0x18c: {  	v3 =	vadd.f32 v3, v2  }
0x18d: {  	s17 =	simm.s32 $0x9E80;
	s18 =	sor.u32 $0x10, s10  }
0x18e: {  	s19 =	sor.u32 s18, s7;
	[tilespmem:s17+$0x0] =	vst v3  }
0x18f: {  	v3 =	vld [tilespmem:s19+$0x0]  }
0x190: {  	v4 =	vld [tilespmem:s19+$0x80]  }
0x191: {  	v5 =	vld [tilespmem:s19+$0x100]  }
0x192: {  	v6 =	vld [tilespmem:s19+$0x180]  }
0x193: {  	v7 =	vld [tilespmem:s19+$0x200]  }
0x194: {  	v8 =	vld [tilespmem:s19+$0x280]  }
0x195: {  	v3 =	vadd.s32 v3, v4;
	v4 =	vld [tilespmem:s19+$0x300]  }
0x196: {  	s20 =	sor.u32 s18, s6;
	v3 =	vadd.s32 v5, v3;
	v5 =	vld [tilespmem:s19+$0x380]  }
0x197: {  	s21 =	sor.u32 s18, s8;
	v3 =	vadd.s32 v6, v3;
	v6 =	vld [tilespmem:s20+$0x0]  }
0x198: {  	s22 =	sor.u32 s18, s11;
	v3 =	vadd.s32 v7, v3;
	v7 =	vld [tilespmem:s21+$0x0]  }
0x199: {  	s23 =	sor.u32 s18, s12;
	v56 =	vld [tilespmem:s22+$0x0];
	v3 =	vadd.s32 v8, v3  }
0x19a: {  	s24 =	sor.u32 s18, s14;
	v3 =	vadd.s32 v4, v3;
	v4 =	vld [tilespmem:s23+$0x0]  }
0x19b: {  	s25 =	sor.u32 s18, s15;
	v3 =	vadd.s32 v5, v3;
	v5 =	vld [tilespmem:s24+$0x0]  }
0x19c: {  	s26 =	sor.u32 s18, s13;
	v3 =	vadd.s32 v6, v3;
	v6 =	vld [tilespmem:s25+$0x0]  }
0x19d: {  	s28 =	sor.u32 s18, s16;
	v3 =	vadd.s32 v7, v3;
	v7 =	vld [tilespmem:s26+$0x0]  }
0x19e: {  	v57 =	vld [tilespmem:s28+$0x0];
	v3 =	vadd.s32 v56, v3  }
0x19f: {  	v3 =	vadd.s32 v4, v3  }
0x1a0: {  	v3 =	vadd.s32 v5, v3  }
0x1a1: {  	v3 =	vadd.s32 v6, v3  }
0x1a2: {  	v3 =	vadd.s32 v7, v3  }
0x1a3: {  	v3 =	vadd.s32 v57, v3  }
0x1a4: {  	v3 =	vcvt.s32.f32 v3  }
0x1a5: {  	s29 =	sand.u32 $0x380, s3  }
0x1a6: {  	s9 =	sadd.s32 $0x9E80, s29;
	v3 =	vadd.f32 v3, v2  }
0x1a7: {  	s30 =	sor.u32 $0x20, s10;
	s1 =	sor.u32 s18, s9  }
0x1a8: {  	s31 =	sor.u32 s30, s7;
	[tilespmem:s1+$0x0] =	vst v3  }
0x1a9: {  	v3 =	vld [tilespmem:s31+$0x0]  }
0x1aa: {  	v4 =	vld [tilespmem:s31+$0x80]  }
0x1ab: {  	v5 =	vld [tilespmem:s31+$0x100]  }
0x1ac: {  	v6 =	vld [tilespmem:s31+$0x180]  }
0x1ad: {  	v7 =	vld [tilespmem:s31+$0x200]  }
0x1ae: {  	v58 =	vld [tilespmem:s31+$0x280]  }
0x1af: {  	v3 =	vadd.s32 v3, v4;
	v4 =	vld [tilespmem:s31+$0x300]  }
0x1b0: {  	s2 =	sor.u32 s30, s6;
	v9 =	vld [tilespmem:s31+$0x380];
	v3 =	vadd.s32 v5, v3  }
0x1b1: {  	s4 =	sor.u32 s30, s8;
	v5 =	vld [tilespmem:s2+$0x0];
	v3 =	vadd.s32 v6, v3  }
0x1b2: {  	s5 =	sor.u32 s30, s11;
	v6 =	vld [tilespmem:s4+$0x0];
	v3 =	vadd.s32 v7, v3  }
0x1b3: {  	s17 =	sor.u32 s30, s12;
	v7 =	vld [tilespmem:s5+$0x0];
	v3 =	vadd.s32 v58, v3  }
0x1b4: {  	s18 =	sor.u32 s30, s14;
	v59 =	vld [tilespmem:s17+$0x0];
	v3 =	vadd.s32 v4, v3  }
0x1b5: {  	s19 =	sor.u32 s30, s15;
	v4 =	vld [tilespmem:s18+$0x0];
	v3 =	vadd.s32 v9, v3  }
0x1b6: {  	s20 =	sor.u32 s30, s13;
	v60 =	vld [tilespmem:s19+$0x0];
	v3 =	vadd.s32 v5, v3  }
0x1b7: {  	s21 =	sor.u32 s30, s16;
	v5 =	vld [tilespmem:s20+$0x0];
	v3 =	vadd.s32 v6, v3  }
0x1b8: {  	v6 =	vld [tilespmem:s21+$0x0];
	v3 =	vadd.s32 v7, v3  }
0x1b9: {  	v3 =	vadd.s32 v59, v3  }
0x1ba: {  	v3 =	vadd.s32 v4, v3  }
0x1bb: {  	v3 =	vadd.s32 v60, v3  }
0x1bc: {  	v3 =	vadd.s32 v5, v3  }
0x1bd: {  	v3 =	vadd.s32 v6, v3  }
0x1be: {  	v3 =	vcvt.s32.f32 v3;
	_ =	sdelay $0x1  }
0x1bf: {  	v3 =	vadd.f32 v3, v2  }
0x1c0: {  	s0 =	sor.u32 s30, s9;
	s20 =	sor.u32 $0x30, s10  }
0x1c1: {  	s22 =	sor.u32 s20, s7;
	[tilespmem:s0+$0x0] =	vst v3  }
0x1c2: {  	v3 =	vld [tilespmem:s22+$0x0]  }
0x1c3: {  	v4 =	vld [tilespmem:s22+$0x80]  }
0x1c4: {  	v5 =	vld [tilespmem:s22+$0x100]  }
0x1c5: {  	v6 =	vld [tilespmem:s22+$0x180]  }
0x1c6: {  	v7 =	vld [tilespmem:s22+$0x200]  }
0x1c7: {  	v61 =	vld [tilespmem:s22+$0x280]  }
0x1c8: {  	v3 =	vadd.s32 v3, v4;
	v4 =	vld [tilespmem:s22+$0x300]  }
0x1c9: {  	s23 =	sor.u32 s20, s6;
	v62 =	vld [tilespmem:s22+$0x380];
	v3 =	vadd.s32 v5, v3  }
0x1ca: {  	s24 =	sor.u32 s20, s8;
	v5 =	vld [tilespmem:s23+$0x0];
	v3 =	vadd.s32 v6, v3  }
0x1cb: {  	s25 =	sor.u32 s20, s11;
	v6 =	vld [tilespmem:s24+$0x0];
	v3 =	vadd.s32 v7, v3  }
0x1cc: {  	s26 =	sor.u32 s20, s12;
	v7 =	vld [tilespmem:s25+$0x0];
	v3 =	vadd.s32 v61, v3  }
0x1cd: {  	s28 =	sor.u32 s20, s14;
	v63 =	vld [tilespmem:s26+$0x0];
	v3 =	vadd.s32 v4, v3  }
0x1ce: {  	s29 =	sor.u32 s20, s15;
	v4 =	vld [tilespmem:s28+$0x0];
	v3 =	vadd.s32 v62, v3  }
0x1cf: {  	v3 =	vadd.s32 v5, v3;
	v5 =	vld [tilespmem:s29+$0x0]  }
0x1d0: {  	v3 =	vadd.s32 v6, v3  }
0x1d1: {  	v3 =	vadd.s32 v7, v3  }
0x1d2: {  	s30 =	sor.u32 s20, s13;
	v6 =	vadd.s32 v63, v3  }
0x1d3: {  	s31 =	sor.u32 s20, s16;
	v3 =	vld [tilespmem:s30+$0x0];
	v6 =	vadd.s32 v4, v6  }
0x1d4: {  	s6 =	simm.s32 $0x0;
	s7 =	simm.s32 $0x9EC0;
	s8 =	simm.s32 $0x0;
	v4 =	vld [tilespmem:s31+$0x0];
	v5 =	vadd.s32 v5, v6  }
.LBB2_8:
0x1d5: {  	_ =	sdelay $0x2  }
0x1d6: {  	v3 =	vadd.s32 v3, v5  }
0x1d7: {  	v3 =	vadd.s32 v4, v3  }
0x1d8: {  	v3 =	vcvt.s32.f32 v3  }
0x1d9: {  	s3 =	sadd.s32 $0x200, s3  }
0x1da: {  	s8 =	sadd.s32 $0x40, s8;
	s0 =	sand.u32 $0x1C00, s3;
	v3 =	vadd.f32 v3, v2  }
0x1db: {  	s1 =	sor.u32 s20, s9;
	s12 =	sand.u32 $0x40, s8;
	s10 =	sadd.s32 $0x7680, s0  }
0x1dc: {  	s20 =	sor.u32 s12, s10;
	[tilespmem:s1+$0x0] =	vst v3  }
0x1dd: {  	v3 =	vld [tilespmem:s20+$0x0]  }
0x1de: {  	v4 =	vld [tilespmem:s20+$0x80]  }
0x1df: {  	v5 =	vld [tilespmem:s20+$0x100]  }
0x1e0: {  	v6 =	vld [tilespmem:s20+$0x180]  }
0x1e1: {  	v7 =	vld [tilespmem:s20+$0x200]  }
0x1e2: {  	v8 =	vld [tilespmem:s20+$0x280]  }
0x1e3: {  	s11 =	sadd.s32 $0x8A80, s0;
	v3 =	vadd.s32 v3, v4;
	v4 =	vld [tilespmem:s20+$0x300]  }
0x1e4: {  	s13 =	sadd.s32 $0x8B00, s0;
	s21 =	sor.u32 s12, s11;
	v3 =	vadd.s32 v5, v3;
	v5 =	vld [tilespmem:s20+$0x380]  }
0x1e5: {  	s14 =	sadd.s32 $0x8B80, s0;
	s22 =	sor.u32 s12, s13;
	v3 =	vadd.s32 v6, v3;
	v6 =	vld [tilespmem:s21+$0x0]  }
0x1e6: {  	s15 =	sadd.s32 $0x8C00, s0;
	s23 =	sor.u32 s12, s14;
	v3 =	vadd.s32 v7, v3;
	v7 =	vld [tilespmem:s22+$0x0]  }
0x1e7: {  	s16 =	sadd.s32 $0x8C80, s0;
	s24 =	sor.u32 s12, s15;
	v54 =	vld [tilespmem:s23+$0x0];
	v3 =	vadd.s32 v8, v3  }
0x1e8: {  	s17 =	sadd.s32 $0x8D00, s0;
	s25 =	sor.u32 s12, s16;
	v3 =	vadd.s32 v4, v3;
	v4 =	vld [tilespmem:s24+$0x0]  }
0x1e9: {  	s18 =	sadd.s32 $0x8D80, s0;
	s26 =	sor.u32 s12, s17;
	v3 =	vadd.s32 v5, v3;
	v5 =	vld [tilespmem:s25+$0x0]  }
0x1ea: {  	s19 =	sadd.s32 $0x8E00, s0;
	s28 =	sor.u32 s12, s18;
	v3 =	vadd.s32 v6, v3;
	v6 =	vld [tilespmem:s26+$0x0]  }
0x1eb: {  	s0 =	sor.u32 s12, s19;
	v3 =	vadd.s32 v7, v3;
	v7 =	vld [tilespmem:s28+$0x0]  }
0x1ec: {  	v55 =	vld [tilespmem:s0+$0x0];
	v3 =	vadd.s32 v54, v3  }
0x1ed: {  	v3 =	vadd.s32 v4, v3  }
0x1ee: {  	v3 =	vadd.s32 v5, v3  }
0x1ef: {  	v3 =	vadd.s32 v6, v3  }
0x1f0: {  	v3 =	vadd.s32 v7, v3  }
0x1f1: {  	v3 =	vadd.s32 v55, v3  }
0x1f2: {  	v3 =	vcvt.s32.f32 v3;
	_ =	sdelay $0x1  }
0x1f3: {  	v3 =	vadd.f32 v3, v2  }
0x1f4: {  	s30 =	sor.u32 $0x10, s12  }
0x1f5: {  	s23 =	sor.u32 s30, s10;
	[tilespmem:s7+$0x0] =	vst v3  }
0x1f6: {  	v3 =	vld [tilespmem:s23+$0x0]  }
0x1f7: {  	v4 =	vld [tilespmem:s23+$0x80]  }
0x1f8: {  	v5 =	vld [tilespmem:s23+$0x100]  }
0x1f9: {  	v6 =	vld [tilespmem:s23+$0x180]  }
0x1fa: {  	v7 =	vld [tilespmem:s23+$0x200]  }
0x1fb: {  	v56 =	vld [tilespmem:s23+$0x280]  }
0x1fc: {  	v3 =	vadd.s32 v3, v4;
	v4 =	vld [tilespmem:s23+$0x300]  }
0x1fd: {  	s4 =	sor.u32 s30, s11;
	v3 =	vadd.s32 v5, v3;
	v5 =	vld [tilespmem:s23+$0x380]  }
0x1fe: {  	s1 =	sor.u32 s30, s13;
	v3 =	vadd.s32 v6, v3;
	v6 =	vld [tilespmem:s4+$0x0]  }
0x1ff: {  	s2 =	sor.u32 s30, s14;
	v3 =	vadd.s32 v7, v3;
	v7 =	vld [tilespmem:s1+$0x0]  }
0x200: {  	[dreg:$0x4] =	wrdreg s3;
	s31 =	sor.u32 s30, s15;
	s9 =	sor.u32 s30, s17;
	v57 =	vld [tilespmem:s2+$0x0];
	v3 =	vadd.s32 v56, v3  }
0x201: {  	s5 =	sor.u32 s30, s16;
	[dreg:$0xc] =	wrdreg s9;
	v3 =	vadd.s32 v4, v3;
	v4 =	vld [tilespmem:s31+$0x0]  }
0x202: {  	s3 =	sor.u32 s30, s19;
	s24 =	rddreg [dreg:$0xc];
	v3 =	vadd.s32 v5, v3;
	v5 =	vld [tilespmem:s5+$0x0]  }
0x203: {  	s9 =	sor.u32 s30, s18;
	[dreg:$0xb] =	wrdreg s3;
	v3 =	vadd.s32 v6, v3;
	v6 =	vld [tilespmem:s24+$0x0]  }
0x204: {  	s25 =	rddreg [dreg:$0xb];
	v3 =	vadd.s32 v7, v3;
	v7 =	vld [tilespmem:s9+$0x0]  }
0x205: {  	v58 =	vld [tilespmem:s25+$0x0];
	v3 =	vadd.s32 v57, v3  }
0x206: {  	v3 =	vadd.s32 v4, v3  }
0x207: {  	v3 =	vadd.s32 v5, v3  }
0x208: {  	v3 =	vadd.s32 v6, v3  }
0x209: {  	v3 =	vadd.s32 v7, v3  }
0x20a: {  	v3 =	vadd.s32 v58, v3  }
0x20b: {  	v3 =	vcvt.s32.f32 v3  }
0x20c: {  	s26 =	sand.u32 $0x380, s8  }
0x20d: {  	s9 =	sadd.s32 $0x9E80, s26;
	v3 =	vadd.f32 v3, v2  }
0x20e: {  	s29 =	sor.u32 $0x20, s12;
	s28 =	sor.u32 s30, s9  }
0x20f: {  	s30 =	sor.u32 s29, s10;
	[tilespmem:s28+$0x0] =	vst v3  }
0x210: {  	v3 =	vld [tilespmem:s30+$0x0]  }
0x211: {  	s3 =	sor.u32 s29, s11;
	v4 =	vld [tilespmem:s30+$0x80]  }
0x212: {  	[dreg:$0x9] =	wrdreg s3;
	s3 =	sor.u32 s29, s13;
	v5 =	vld [tilespmem:s30+$0x100]  }
0x213: {  	[dreg:$0xa] =	wrdreg s3;
	s3 =	sor.u32 s29, s14;
	v6 =	vld [tilespmem:s30+$0x180]  }
0x214: {  	[dreg:$0x8] =	wrdreg s3;
	s3 =	sor.u32 s29, s15;
	v7 =	vld [tilespmem:s30+$0x200]  }
0x215: {  	[dreg:$0x7] =	wrdreg s3;
	s20 =	sor.u32 s29, s17;
	v59 =	vld [tilespmem:s30+$0x280]  }
0x216: {  	[dreg:$0x6] =	wrdreg s20;
	v3 =	vadd.s32 v3, v4;
	v4 =	vld [tilespmem:s30+$0x300]  }
0x217: {  	s31 =	rddreg [dreg:$0x9];
	v3 =	vadd.s32 v5, v3;
	v5 =	vld [tilespmem:s30+$0x380]  }
0x218: {  	s2 =	rddreg [dreg:$0xa];
	v3 =	vadd.s32 v6, v3;
	v6 =	vld [tilespmem:s31+$0x0]  }
0x219: {  	s4 =	rddreg [dreg:$0x8];
	v3 =	vadd.s32 v7, v3;
	v7 =	vld [tilespmem:s2+$0x0]  }
0x21a: {  	s20 =	sor.u32 s29, s18;
	s5 =	rddreg [dreg:$0x7];
	v60 =	vld [tilespmem:s4+$0x0];
	v3 =	vadd.s32 v59, v3  }
0x21b: {  	s3 =	sor.u32 s29, s16;
	[dreg:$0x5] =	wrdreg s20;
	v3 =	vadd.s32 v4, v3;
	v4 =	vld [tilespmem:s5+$0x0]  }
0x21c: {  	s20 =	rddreg [dreg:$0x6];
	v3 =	vadd.s32 v5, v3;
	v5 =	vld [tilespmem:s3+$0x0]  }
0x21d: {  	s22 =	rddreg [dreg:$0x5];
	v3 =	vadd.s32 v6, v3;
	v6 =	vld [tilespmem:s20+$0x0]  }
0x21e: {  	s21 =	sor.u32 s29, s19;
	v3 =	vadd.s32 v7, v3;
	v7 =	vld [tilespmem:s22+$0x0]  }
0x21f: {  	v61 =	vld [tilespmem:s21+$0x0];
	v3 =	vadd.s32 v60, v3  }
0x220: {  	v3 =	vadd.s32 v4, v3  }
0x221: {  	v3 =	vadd.s32 v5, v3  }
0x222: {  	v3 =	vadd.s32 v6, v3  }
0x223: {  	v3 =	vadd.s32 v7, v3  }
0x224: {  	v3 =	vadd.s32 v61, v3  }
0x225: {  	v3 =	vcvt.s32.f32 v3;
	_ =	sdelay $0x1  }
0x226: {  	v3 =	vadd.f32 v3, v2  }
0x227: {  	s0 =	sor.u32 s29, s9;
	s20 =	sor.u32 $0x30, s12  }
0x228: {  	s23 =	sor.u32 s20, s10;
	[tilespmem:s0+$0x0] =	vst v3  }
0x229: {  	v3 =	vld [tilespmem:s23+$0x0]  }
0x22a: {  	v4 =	vld [tilespmem:s23+$0x80]  }
0x22b: {  	v5 =	vld [tilespmem:s23+$0x100]  }
0x22c: {  	v6 =	vld [tilespmem:s23+$0x180]  }
0x22d: {  	v7 =	vld [tilespmem:s23+$0x200]  }
0x22e: {  	v62 =	vld [tilespmem:s23+$0x280]  }
0x22f: {  	v3 =	vadd.s32 v3, v4;
	v4 =	vld [tilespmem:s23+$0x300]  }
0x230: {  	s24 =	sor.u32 s20, s11;
	v3 =	vadd.s32 v5, v3;
	v5 =	vld [tilespmem:s23+$0x380]  }
0x231: {  	s25 =	sor.u32 s20, s13;
	v3 =	vadd.s32 v6, v3;
	v6 =	vld [tilespmem:s24+$0x0]  }
0x232: {  	s26 =	sor.u32 s20, s14;
	v3 =	vadd.s32 v7, v3;
	v7 =	vld [tilespmem:s25+$0x0]  }
0x233: {  	s28 =	sor.u32 s20, s15;
	v63 =	vld [tilespmem:s26+$0x0];
	v3 =	vadd.s32 v62, v3  }
0x234: {  	s29 =	sor.u32 s20, s16;
	v9 =	vld [tilespmem:s28+$0x0];
	v3 =	vadd.s32 v4, v3  }
0x235: {  	s6 =	sadd.s32 $0x4, s6;
	s30 =	sor.u32 s20, s17;
	v3 =	vadd.s32 v5, v3;
	v5 =	vld [tilespmem:s29+$0x0]  }
0x236: {  	p0 =	slt.u32 s6, $0x24;
	v3 =	vadd.s32 v6, v3;
	v6 =	vld [tilespmem:s30+$0x0]  }
.Ltmp3:
0x237: {  	v4 =	vadd.s32 v7, v3;
	(pc) =	sbr.rel @p0 .LBB2_8-.Ltmp3, $4  }
0x238: {  	v7 =	vadd.s32 v63, v4  }
0x239: {  	s31 =	sor.u32 s20, s18;
	v7 =	vadd.s32 v9, v7  }
0x23a: {  	s12 =	sor.u32 s20, s19;
	v3 =	vld [tilespmem:s31+$0x0];
	v5 =	vadd.s32 v5, v7  }
0x23b: {  	s7 =	sadd.s32 $0x40, s7;
	s3 =	rddreg [dreg:$0x4];
	v4 =	vld [tilespmem:s12+$0x0];
	v5 =	vadd.s32 v6, v5  }
0x23c: {  	_ =	sdelay $0x2  }
0x23d: {  	v3 =	vadd.s32 v3, v5  }
0x23e: {  	v3 =	vadd.s32 v4, v3  }
0x23f: {  	v3 =	vcvt.s32.f32 v3;
	_ =	sdelay $0x1  }
0x240: {  	v2 =	vadd.f32 v3, v2  }
0x241: {  	s0 =	sor.u32 s20, s9;
	s8 =	simm.s32 $0x0  }
0x242: {  	s29 =	rddreg [dreg:$0x1f];
	s1 =	simm.s32 $0x9E80;
	s4 =	simm.s32 $0x2;
	[tilespmem:s0+$0x0] =	vst v2  }
0x243: {  	[hbm4b:s29+s8] =	stream.linear.scatter [tilespmem:s1], [sflag:$0x2], $0x280, $0x38;
	[tilespmem:$0xC980] =	vst v63  }
0x244: {  	_ =	swait.ge [sflag:s4], $0x280  }
0x245: {  	s30 =	sld [smem:$0x7BC]  }
0x246: {  	s31 =	sld [smem:$0x7BD];
	_ =	sdelay $0x1  }
0x247: {  	s1 =	sadd.s32 $0x1, s30  }
0x248: {  	p0 =	sne.s32 s1, s31  }
.Ltmp4:
0x249: {  	_ = 	snop;
	(pc) =	sbr.rel @p0 .LBB2_1-.Ltmp4, $3  }
0x24a: {  	_ =	sdelay $0x1  }
0x24b: {  	[sflag:s4] =	ssyncset.done $0x0  }
0x24c: {  	s2 =	simm.s32 $0x1;
	s3 =	simm.s32 $0x4E80;
	[sflag:s4] =	ssyncadd.s32 $0xFFFFFD80  }
0x24d: {  	_ =	sfence.sel $0x180000  }
0x24e: {  	[bflag:$0x0] =	sbarrier.arrive $0xFFFF  }
0x24f: {  	_ =	strace $0x90000047  }
0x250: {  	s0 =	stileid.u32;
	[bflag:$0x2] =	sbarrier.arrive $0xFFFF  }
0x251: {  	p0 =	sne.s32 s0, $0x0;
	s0 =	rddreg [dreg:$0x3]  }
0x252: {  	s0 =	sadd.s32 @!p0 $0x100000, s0  }
0x253: {  	[sflag:s0] =	ssyncadd.tile.s32 @!p0 $0x1;
	_ =	shalt  }
.Lfunc_end2:
_tile_overlayer_lowered:
.L_overlay_start_2:
0x254: {  	(tag) =	ssettag $0x2  }
0x255: {  	s0 =	rddreg [dreg:$0x0];
	s2 =	stileid.u32  }
0x256: {  	s1 =	rddreg [dreg:$0x1];
	p0 =	sne.s32 s2, $0x0  }
0x257: {  	s3 =	rddreg [dreg:$0x2];
	[bflag:$0x3] =	sbarrier.arrive $0xFFFF;
	s2 =	simm.s32 @!p0 $0x1C02  }
0x258: {  	[timem:s3], [sflag:s2] =	dma.local @!p0 [hbm:s0], s1  }
0x259: {  	s0 =	simm.s32 @!p0 $0x2  }
0x25a: {  	_ =	swait.ge @!p0 [sflag:s0], s1  }
0x25b: {  	s1 =	ssub.s32 @!p0 $0x0, s1;
	[sflag:s0] =	ssyncset.done @!p0 $0x0  }
0x25c: {  	[sflag:s0] =	ssyncadd.s32 @!p0 s1  }
0x25d: {  	[bflag:$0x3] =	sbarrier.arrive $0xFFFF  }
0x25e: {  	_ =	shalt  }

// kernel: kernel.7.cloned.1.call-start
scs
__scs_entry_jumppad:
0x0: {  	(pc) =	sbr.rel $0x88, $3  }
0x1: {  	(tag) =	ssettag $0x0;
	lr =	simm.s32 $0x1  }
0x2: {  	[smem:$0x3F9E] =	sst lr;
	_ =	strace $0xD0000000  }
0x3: {  	_ = 	snop  }
0x4: {  	_ = 	snop  }
0x5: {  	_ = 	snop  }
0x6: {  	_ = 	snop  }
0x7: {  	_ = 	snop  }
__scs_overlays_trampoline_lowered:
0x8: {  	[smem:$0x3FAD] =	sst s0  }
0x9: {  	[smem:$0x3FAE] =	sst s1  }
0xa: {  	[smem:$0x3FAF] =	sst s2  }
0xb: {  	[smem:$0x3FB0] =	sst s3  }
0xc: {  	[smem:$0x3FB1] =	sst s4  }
0xd: {  	[smem:$0x3FB2] =	sst s5  }
0xe: {  	[smem:$0x3FB3] =	sst s6  }
0xf: {  	[smem:$0x3FB4] =	sst s7  }
0x10: {  	[smem:$0x3FB5] =	sst s8  }
0x11: {  	[smem:$0x3FB6] =	sst s9;
	s0 =	simm.s32 @!p0 $0x0  }
0x12: {  	s1 =	sld [smem:$0x3F9C];
	s0 =	simm.s32 @p0 $0x1  }
0x13: {  	[smem:$0x3FB7] =	sst s0;
	s0 =	simm.s32 @!p1 $0x0  }
0x14: {  	s2 =	sld [smem:$0x3F9B];
	s0 =	simm.s32 @p1 $0x1  }
0x15: {  	[smem:$0x3FB8] =	sst s0;
	s0 =	simm.s32 @!p2 $0x0  }
0x16: {  	s3 =	sld [smem:$0x3FDB];
	s0 =	simm.s32 @p2 $0x1  }
0x17: {  	s4 =	simm.s32 $0x1BF5;
	[smem:$0x3FBA] =	sst s0  }
0x18: {  	s0 =	sld [smem:$0x3F9D];
	_ =	swait.ge [sflag:s4], $0x0  }
0x19: {  	s7 =	sld [smem:$0x3F9E]  }
0x1a: {  	s8 =	sadd.s32 $0xFFFFE003, lr  }
0x1b: {  	s9 =	sadd.s32 $0xFFFFFEF7, lr;
	s5 =	simm.s32 $0xFFFFFFFF;
	p2 =	slt.u32 s8, $0xFFFFF086  }
0x1c: {  	p1 =	slt.u32 s9, $0xF7A;
	s5 =	simm.s32 @!p2 $0x0  }
0x1d: {  	s5 =	simm.s32 @p1 $0x1;
	p0 =	seq.s32 s7, s2  }
0x1e: {  	s7 =	smul.u32 @!p0 $0xF7A, s2;
	p2 =	seq.s32 @!p0 s5, $0x0  }
0x1f: {  	s9 =	smul.u32 $0xF7A, s1;
	s8 =	simm.s32 @!p0 $0x1BF5;
	p2 =	por !p2, p0  }
0x20: {  	[sflag:s8] =	ssyncset.s32 @!p0 $0xFFFFF086;
	s6 =	sadd.s32 @!p0 s3, s7;
	s7 =	simm.s32 @!p0 $0x108  }
0x21: {  	s3 =	sadd.s32 s3, s9;
	s6 =	sadd.s32 @!p0 $0x88, s6;
	s7 =	simm.s32 @p2 $0x1082  }
0x22: {  	[simem:s7], [sflag:s8] =	dma.local @!p0 [hbm:s6], $0xF7A  }
0x23: {  	s9 =	sor.u32 $0xD0000000, s2;
	s6 =	simm.s32 $0x108;
	_ =	swait.ge @!p0 [sflag:s8], $0x0  }
0x24: {  	s3 =	sadd.s32 $0x88, s3;
	s6 =	simm.s32 @!p1 $0x1082;
	[sflag:s4] =	ssyncset.s32 $0xFFFFF086  }
0x25: {  	[simem:s6], [sflag:s4] =	dma.local [hbm:s3], $0xF7A  }
0x26: {  	[smem:$0x3F9E] =	sst s1;
	(tag) =	ssettag s2;
	_ =	strace s9  }
0x27: {  	s1 =	sld [smem:$0x3FAE]  }
0x28: {  	s2 =	sld [smem:$0x3FAF]  }
0x29: {  	s4 =	sld [smem:$0x3FB1]  }
0x2a: {  	p0 =	seq.s32 s5, $0x0;
	s5 =	sld [smem:$0x3FB2]  }
0x2b: {  	s6 =	sld [smem:$0x3FB3]  }
0x2c: {  	s7 =	sld [smem:$0x3FB4]  }
0x2d: {  	s3 =	simm.s32 $0x108;
	s8 =	sld [smem:$0x3FB5]  }
0x2e: {  	s3 =	simm.s32 @!p0 $0x1082;
	s9 =	sld [smem:$0x3FB6]  }
0x2f: {  	lr =	sadd.s32 s0, s3;
	s0 =	sld [smem:$0x3FAD]  }
0x30: {  	s3 =	sld [smem:$0x3FB0]  }
0x31: {  	[smem:$0x3FB9] =	sst s10  }
0x32: {  	s10 =	sld [smem:$0x3FB7];
	_ =	sdelay $0x3  }
0x33: {  	p0 =	seq.s32 s10, $0x1;
	s10 =	sld [smem:$0x3FB9];
	_ =	sdelay $0x3  }
0x34: {  	[smem:$0x3FB9] =	sst s10  }
0x35: {  	s10 =	sld [smem:$0x3FB8];
	_ =	sdelay $0x3  }
0x36: {  	p1 =	seq.s32 s10, $0x1;
	s10 =	sld [smem:$0x3FB9];
	_ =	sdelay $0x3  }
0x37: {  	[smem:$0x3FB9] =	sst s10  }
0x38: {  	s10 =	sld [smem:$0x3FBA]  }
0x39: {  	_ = 	snop;
	(pc) =	sbr.ind lr, $3  }
0x3a: {  	_ = 	snop  }
0x3b: {  	_ = 	snop  }
0x3c: {  	p2 =	seq.s32 s10, $0x1;
	s10 =	sld [smem:$0x3FB9]  }
0x3d: {  	_ =	shalt  }
0x3e: {  	_ =	shalt  }
0x3f: {  	_ =	shalt  }
0x40: {  	_ =	shalt  }
0x41: {  	_ =	shalt  }
0x42: {  	_ =	shalt  }
0x43: {  	_ =	shalt  }
0x44: {  	_ =	shalt  }
0x45: {  	_ =	shalt  }
0x46: {  	_ =	shalt  }
0x47: {  	_ =	shalt  }
0x48: {  	_ =	shalt  }
0x49: {  	_ =	shalt  }
0x4a: {  	_ =	shalt  }
0x4b: {  	_ =	shalt  }
0x4c: {  	_ =	shalt  }
0x4d: {  	_ =	shalt  }
0x4e: {  	_ =	shalt  }
0x4f: {  	_ =	shalt  }
0x50: {  	_ =	shalt  }
0x51: {  	_ =	shalt  }
0x52: {  	_ =	shalt  }
0x53: {  	_ =	shalt  }
0x54: {  	_ =	shalt  }
0x55: {  	_ =	shalt  }
0x56: {  	_ =	shalt  }
0x57: {  	_ =	shalt  }
0x58: {  	_ =	shalt  }
0x59: {  	_ =	shalt  }
0x5a: {  	_ =	shalt  }
0x5b: {  	_ =	shalt  }
0x5c: {  	_ =	shalt  }
0x5d: {  	_ =	shalt  }
0x5e: {  	_ =	shalt  }
0x5f: {  	_ =	shalt  }
0x60: {  	_ =	shalt  }
0x61: {  	_ =	shalt  }
0x62: {  	_ =	shalt  }
0x63: {  	_ =	shalt  }
0x64: {  	_ =	shalt  }
0x65: {  	_ =	shalt  }
0x66: {  	_ =	shalt  }
0x67: {  	_ =	shalt  }
0x68: {  	_ =	shalt  }
0x69: {  	_ =	shalt  }
0x6a: {  	_ =	shalt  }
0x6b: {  	_ =	shalt  }
0x6c: {  	_ =	shalt  }
0x6d: {  	_ =	shalt  }
0x6e: {  	_ =	shalt  }
0x6f: {  	_ =	shalt  }
0x70: {  	_ =	shalt  }
0x71: {  	_ =	shalt  }
0x72: {  	_ =	shalt  }
0x73: {  	_ =	shalt  }
0x74: {  	_ =	shalt  }
0x75: {  	_ =	shalt  }
0x76: {  	_ =	shalt  }
0x77: {  	_ =	shalt  }
0x78: {  	_ =	shalt  }
0x79: {  	_ =	shalt  }
0x7a: {  	_ =	shalt  }
0x7b: {  	_ =	shalt  }
0x7c: {  	_ =	shalt  }
0x7d: {  	_ =	shalt  }
0x7e: {  	_ =	shalt  }
0x7f: {  	_ =	shalt  }
0x80: {  	_ =	shalt  }
0x81: {  	_ =	shalt  }
0x82: {  	_ =	shalt  }
0x83: {  	_ =	shalt  }
0x84: {  	_ =	shalt  }
0x85: {  	_ =	shalt  }
0x86: {  	_ =	shalt  }
0x87: {  	_ =	shalt  }
.Lfunc_end0:
.L_simem_size_0:
called_computation.1_lowered:
.L_overlay_start_0:
0x88: {  	s2 =	sld [smem:$0x3FD9]  }
0x89: {  	s3 =	sld [smem:$0x3FFE];
	_ =	sdelay $0x1  }
0x8a: {  	s1 =	srdreg.scid  }
0x8b: {  	s0 =	sand.u32 $0x1, s1  }
0x8c: {  	s17 =	sshll.u32 s0, $0xA;
	s2 =	sadd.s32 s3, s2  }
0x8d: {  	s2 =	sadd.s32 s2, s17  }
0x8e: {  	[smem:$0x3FC5] =	sst s2  }
0x8f: {  	_ = 	snop  }
0x90: {  	s2 =	sld [smem:$0x3FD0];
	(tm) =	ssettm $0x1  }
0x91: {  	s18 =	sld [smem:$0x3FFB];
	_ =	sdelay $0x3  }
0x92: {  	_ =	strace s18  }
0x93: {  	s3 =	sld [smem:$0x3FFC];
	_ =	sdelay $0x3  }
0x94: {  	_ =	strace s3  }
0x95: {  	s3 =	sld [smem:$0x3FFD];
	_ =	sdelay $0x3  }
0x96: {  	_ =	strace s3  }
0x97: {  	_ =	strace $0x8FFFFFFF  }
0x98: {  	s19 =	sld [smem:$0x3FDB];
	_ =	sdelay $0x1  }
0x99: {  	s4 =	simm.s32 $_scs_section_size  }
0x9a: {  	s5 =	simm.s32 $_size__tile_overlayer_lowered;
	s6 =	simm.s32 $_tile_overlayer_lowered  }
0x9b: {  	s22 =	simm.s32 $0x1BFF;
	s21 =	sshll.u32 s6, $0x1;
	s3 =	sadd.s32 s4, s19  }
0x9c: {  	s7 =	simm.s32 $0x0;
	s20 =	sshll.u32 s5, $0x1;
	s5 =	sadd.s32 s21, s3  }
0x9d: {  	[timem:s7], [sflag:s22] =	dma.local [hbm:s5], s20  }
0x9e: {  	_ =	swait.ge [sflag:s22], s20  }
0x9f: {  	s4 =	ssub.s32 $0x0, s20;
	[sflag:s22] =	ssyncset.done $0x0  }
0xa0: {  	[sflag:s22] =	ssyncadd.s32 s4;
	_ =	sdelay $0x1  }
0xa1: {  	s23 =	simm.s32 $0x1B8B  }
0xa2: {  	_ =	swait.ge [sflag:s23], $0x1  }
0xa3: {  	[sflag:s23] =	ssyncset.done $0x0  }
0xa4: {  	s25 =	simm.s32 $0x1B8E;
	s24 =	sld [smem:$0x3FFE];
	[sflag:s23] =	ssyncadd.s32 $0xFFFFFFFF  }
0xa5: {  	s26 =	simm.s32 $execute0_lowered;
	[smem:$0x3FD2] =	sst s25  }
0xa6: {  	s5 =	sshll.u32 s26, $0x1;
	_ =	strace $0x80000049;
	[dreg:$0x1] =	wrdreg $0xFFFFFFFF  }
0xa7: {  	s28 =	simm.s32 $_size_execute0_lowered;
	s3 =	sadd.s32 s3, s5;
	[dreg:$0x0] =	wrdreg $0x0  }
0xa8: {  	s5 =	sshll.u32 s28, $0x1;
	[dreg:$0x2] =	wrdreg s3  }
0xa9: {  	[dreg:$0x3] =	wrdreg s5  }
0xaa: {  	[dreg:$0x4] =	wrdreg $0xC0  }
0xab: {  	_ =	task [dreg:s7], $0x5FFFF  }
0xac: {  	[dreg:$0x1] =	wrdreg $0xFFFFFFFF  }
0xad: {  	[dreg:$0x0] =	wrdreg $0x60  }
0xae: {  	[dreg:$0x2] =	wrdreg s24  }
0xaf: {  	[dreg:$0x3] =	wrdreg s2  }
0xb0: {  	[dreg:$0x4] =	wrdreg $0x9  }
0xb1: {  	_ =	task.clear_ibuf [dreg:s7], $0x5FFFF;
	_ =	strace $0x90000049  }
0xb2: {  	s29 =	simm.s32 $0x9;
	_ =	strace $0x8000004B  }
0xb3: {  	_ =	swait.ge [sflag:s29], $0x1  }
0xb4: {  	[sflag:s29] =	ssyncadd.s32 $0xFFFFFFFF  }
0xb5: {  	_ =	strace $0x9000004B  }
0xb6: {  	_ =	sfence  }
0xb7: {  	s30 =	sld [smem:$0x0];
	_ =	sdelay $0x2  }
0xb8: {  	s31 =	sshll.u32 s1, $0xD;
	s1 =	sshrl.u32 s1, $0x2  }
0xb9: {  	s3 =	sand.u32 $0x4000, s31;
	s1 =	sadd.s32 s1, s30  }
0xba: {  	s0 =	sor.u32 s3, s0;
	s1 =	sshll.u32 s1, $0x11  }
0xbb: {  	s0 =	sor.u32 s1, s0  }
0xbc: {  	s0 =	sadd.s32 $0x8F2B, s0  }
0xbd: {  	[sflag:s0] =	ssyncadd.remote.s32 $0x1  }
0xbe: {  	_ =	sfence.sel $0xFFFF  }
0xbf: {  	[dreg:$0x0] =	wrdreg $0xFFFFFFFF;
	(pc) =	sbr.abs _section_cstart, $3  }
0xc0: {  	[dreg:$0x1] =	wrdreg $0xFFFFFFFF  }
0xc1: {  	_ =	task.clear_ibuf [dreg:s7], $0x2FFFF;
	_ =	strace $0x9FFFFFFF  }
0xc2: {  	(tm) =	ssettm $0x7FFFFFFF  }
0xc3: {  	_ =	shalt  }
tec
execute0_lowered:
.L_overlay_start_1:
0x0: {  	(tag) =	ssettag $0x1  }
0x1: {  	s1 =	srdreg.scid  }
0x2: {  	s0 =	stileid.u32;
	s4 =	rddreg [dreg:$0x0]  }
0x3: {  	s7 =	rddreg [dreg:$0x1];
	s2 =	simm.s32 $0x0;
	s11 =	simm.s32 $0x7780  }
0x4: {  	s12 =	simm.s32 $0x1;
	s3 =	sand.u32 $0x1, s1;
	s30 =	sshll.u32 s0, $0x1  }
0x5: {  	s13 =	simm.s32 $0x9F00;
	s14 =	simm.s32 $0x2;
	s5 =	sor.u32 s3, s30  }
0x6: {  	s15 =	simm.s32 $0x0;
	[smem:$0x7FF] =	sst s2;
	s5 =	smul.u32 $0x2710, s5  }
0x7: {  	s1 =	rddreg [dreg:$0x2];
	s6 =	ssub.s32 $0x2, s3;
	_ =	strace $0x8000004A  }
0x8: {  	s3 =	sadd.s32 $0x14400, s4;
	s31 =	sshrl.u32 s6, $0x1;
	s8 =	sshrl.u32 s5, $0x3  }
0x9: {  	s10 =	ssub.s32 s6, s31;
	s9 =	sadd.s32 s8, s4;
	s4 =	sadd.s32 $0x14900, s4  }
0xa: {  	s7 =	sadd.s32 s7, s8;
	s8 =	smax.u32 s10, $0x1;
	s10 =	simm.s32 $0x5000  }
0xb: {  	s5 =	sadd.s32 $0x1EA40, s9;
	s6 =	sadd.s32 $0x14E00, s9;
	s9 =	simm.s32 $0x2800  }
.LBB2_1:
0xc: {  	[tilespmem:s2], [sflag:$0x1] =	stream.linear.gather [hbm4b:s3+s2], $0x2800, $0x38;
	[tilespmem:$0xC680] =	vst v63  }
0xd: {  	_ = 	snop  }
0xe: {  	[tilespmem:s9], [sflag:$0x1] =	stream.linear.gather [hbm4b:s4+s2], $0x2800, $0x38;
	[tilespmem:$0xC680] =	vst v63  }
0xf: {  	_ = 	snop  }
0x10: {  	[tilespmem:s10], [sflag:$0x1] =	stream.linear.gather [hbm4b:s5+s2], $0x2710, $0x38;
	[tilespmem:$0xC680] =	vst v63  }
0x11: {  	_ = 	snop  }
0x12: {  	[tilespmem:s11], [sflag:$0x1] =	stream.linear.gather [hbm4b:s6+s2], $0x2710, $0x38;
	[tilespmem:$0xC680] =	vst v63  }
0x13: {  	_ =	swait.ge [sflag:s12], $0x2800  }
0x14: {  	[sflag:s12] =	ssyncset.done $0x0  }
0x15: {  	[sflag:s12] =	ssyncadd.s32 $0xFFFFD800  }
0x16: {  	_ =	swait.ge [sflag:s12], $0x2800  }
0x17: {  	[sflag:s12] =	ssyncset.done $0x0  }
0x18: {  	[sflag:s12] =	ssyncadd.s32 $0xFFFFD800  }
0x19: {  	_ =	swait.ge [sflag:s12], $0x2710  }
0x1a: {  	[sflag:s12] =	ssyncset.done $0x0  }
0x1b: {  	[sflag:s12] =	ssyncadd.s32 $0xFFFFD8F0  }
0x1c: {  	_ =	swait.ge [sflag:s12], $0x2710  }
0x1d: {  	[sflag:s12] =	ssyncset.done $0x0  }
0x1e: {  	s17 =	simm.s32 $0x5040;
	[sflag:s12] =	ssyncadd.s32 $0xFFFFD8F0  }
0x1f: {  	s16 =	simm.s32 $0x77C0;
	v0 =	vld [tilespmem:s17+$0x30]  }
0x20: {  	v1 =	vld [tilespmem:s16+$0x30]  }
0x21: {  	v2 =	vld [tilespmem:s16+$0xFFFFFFC0]  }
0x22: {  	v3 =	vld [tilespmem:s17+$0xFFFFFFD0]  }
0x23: {  	v4 =	vld [tilespmem:s16+$0xFFFFFFD0]  }
0x24: {  	v5 =	vld [tilespmem:s17+$0xFFFFFFE0]  }
0x25: {  	v6 =	vld [tilespmem:s16+$0xFFFFFFE0]  }
0x26: {  	v7 =	vld [tilespmem:s17+$0xFFFFFFF0]  }
0x27: {  	v9 =	vld [tilespmem:s16+$0xFFFFFFF0]  }
0x28: {  	v10 =	vld [tilespmem:s17+$0x0]  }
0x29: {  	v8 =	vld.idx.msk [tilespmem:v0+s2+$0x0], $0xffff  }
0x2a: {  	v1 =	vld.idx.msk [tilespmem:v1+s9+$0x0], $0xffff  }
0x2b: {  	v11 =	vld [tilespmem:s16+$0x0]  }
0x2c: {  	v12 =	vld [tilespmem:s17+$0x10]  }
0x2d: {  	v13 =	vld [tilespmem:s16+$0x10]  }
0x2e: {  	v14 =	vld [tilespmem:s17+$0x20]  }
0x2f: {  	v16 =	vld [tilespmem:s17+$0xFFFFFFC0];
	v0 =	vadd.f32 v1, v8  }
0x30: {  	v15 =	vld [tilespmem:s16+$0x20]  }
0x31: {  	v4 =	vld.idx.msk [tilespmem:v4+s9+$0x0], $0xffff;
	(erf) = vrcp.f32 v0  }
0x32: {  	v17 =	vld.idx.msk [tilespmem:v5+s2+$0x0], $0xffff  }
0x33: {  	v0 =	vld.idx.msk [tilespmem:v2+s9+$0x0], $0xffff  }
0x34: {  	v2 =	vld.idx.msk [tilespmem:v3+s2+$0x0], $0xffff  }
0x35: {  	v18 =	vld.idx.msk [tilespmem:v6+s9+$0x0], $0xffff  }
0x36: {  	v19 =	vld.idx.msk [tilespmem:v7+s2+$0x0], $0xffff  }
0x37: {  	v16 =	vld.idx.msk [tilespmem:v16+s2+$0x0], $0xffff;
	v3 =	vadd.f32 v8, v8  }
0x38: {  	v8 =	vld.idx.msk [tilespmem:v9+s9+$0x0], $0xffff  }
0x39: {  	v5 =	vld.idx.msk [tilespmem:v10+s2+$0x0], $0xffff;
	v1 =	vmul.f32 v1, v3;
	v6 =	vadd.f32 v2, v2;
	v2 =	vadd.f32 v4, v2  }
0x3a: {  	v10 =	vadd.f32 v17, v17;
	v3 =	vld.idx.msk [tilespmem:v11+s9+$0x0], $0xffff;
	v7 =	vpop (erf)  }
0x3b: {  	v17 =	vadd.f32 v18, v17;
	(erf) = vrcp.f32 v2;
	v9 =	vmul.f32 v7, v1;
	v7 =	vld.idx.msk [tilespmem:v12+s2+$0x0], $0xffff  }
0x3c: {  	s17 =	simm.s32 $0x9F40;
	v1 =	vmul.f32 v4, v6;
	v4 =	vadd.f32 v19, v19;
	v6 =	vld.idx.msk [tilespmem:v13+s9+$0x0], $0xffff  }
0x3d: {  	v11 =	vadd.f32 v8, v19;
	v2 =	vmul.f32 v18, v10;
	(erf) = vrcp.f32 v17;
	[tilespmem:s17+$0x30] =	vst v9;
	v9 =	vld.idx.msk [tilespmem:v14+s2+$0x0], $0xffff  }
0x3e: {  	s18 =	simm.s32 $0x0;
	s19 =	simm.s32 $0x50C0;
	v10 =	vadd.f32 v16, v16;
	v12 =	vadd.f32 v0, v16;
	v4 =	vmul.f32 v8, v4;
	v8 =	vld.idx.msk [tilespmem:v15+s9+$0x0], $0xffff  }
.LBB2_2:
0x3f: {  	v13 =	vld [tilespmem:s19+$0x30];
	v14 =	vadd.f32 v5, v5;
	s16 =	sadd.s32 $0x80, s16;
	(erf) = vrcp.f32 v11  }
0x40: {  	s18 =	sadd.s32 $0x8, s18;
	v5 =	vadd.f32 v3, v5;
	v11 =	vld [tilespmem:s16+$0x30];
	v0 =	vmul.f32 v0, v10;
	(erf) = vrcp.f32 v12  }
0x41: {  	p0 =	slt.u32 s18, $0x268;
	v12 =	vadd.f32 v7, v7;
	v10 =	vld [tilespmem:s16+$0xFFFFFFC0];
	v3 =	vmul.f32 v3, v14  }
0x42: {  	v7 =	vadd.f32 v6, v7;
	v14 =	vld [tilespmem:s19+$0xFFFFFFD0];
	(erf) = vrcp.f32 v5  }
0x43: {  	v6 =	vmul.f32 v6, v12;
	v12 =	vadd.f32 v9, v9;
	v5 =	vld [tilespmem:s16+$0xFFFFFFD0]  }
0x44: {  	v9 =	vadd.f32 v8, v9;
	v15 =	vld [tilespmem:s19+$0xFFFFFFE0];
	v16 =	vpop (erf);
	(erf) = vrcp.f32 v7  }
0x45: {  	v8 =	vmul.f32 v8, v12;
	v7 =	vld [tilespmem:s16+$0xFFFFFFE0];
	v1 =	vmul.f32 v16, v1  }
0x46: {  	v12 =	vld [tilespmem:s19+$0xFFFFFFF0];
	v16 =	vpop (erf);
	(erf) = vrcp.f32 v9  }
0x47: {  	v9 =	vld.idx.msk [tilespmem:v13+s2+$0x0], $0xffff;
	[tilespmem:s17+$0xFFFFFFD0] =	vst v1;
	v1 =	vmul.f32 v16, v2  }
0x48: {  	v2 =	vld.idx.msk [tilespmem:v11+s9+$0x0], $0xffff;
	v11 =	vpop (erf)  }
0x49: {  	v13 =	vld [tilespmem:s16+$0xFFFFFFF0];
	[tilespmem:s17+$0xFFFFFFE0] =	vst v1;
	v16 =	vmul.f32 v11, v4;
	v4 =	vpop (erf)  }
0x4a: {  	v11 =	vld [tilespmem:s19+$0x0];
	v0 =	vmul.f32 v4, v0  }
0x4b: {  	v4 =	vld [tilespmem:s16+$0x0];
	[tilespmem:s17+$0xFFFFFFF0] =	vst v16;
	v1 =	vpop (erf)  }
0x4c: {  	v16 =	vld [tilespmem:s19+$0x10];
	[tilespmem:s17+$0xFFFFFFC0] =	vst v0;
	v0 =	vmul.f32 v1, v3  }
0x4d: {  	v17 =	vld [tilespmem:s16+$0x10];
	v1 =	vpop (erf)  }
0x4e: {  	v3 =	vadd.f32 v2, v9;
	v18 =	vld [tilespmem:s19+$0x20];
	[tilespmem:s17+$0x0] =	vst v0;
	v0 =	vmul.f32 v1, v6  }
0x4f: {  	v19 =	vld [tilespmem:s16+$0x20];
	v1 =	vpop (erf)  }
0x50: {  	v6 =	vld [tilespmem:s19+$0xFFFFFFC0];
	(erf) = vrcp.f32 v3;
	[tilespmem:s17+$0x10] =	vst v0;
	v1 =	vmul.f32 v1, v8  }
0x51: {  	v0 =	vld.idx.msk [tilespmem:v10+s9+$0x0], $0xffff  }
0x52: {  	v3 =	vld.idx.msk [tilespmem:v14+s2+$0x0], $0xffff;
	[tilespmem:s17+$0x20] =	vst v1  }
0x53: {  	v1 =	vld.idx.msk [tilespmem:v5+s9+$0x0], $0xffff  }
0x54: {  	v8 =	vld.idx.msk [tilespmem:v15+s2+$0x0], $0xffff  }
0x55: {  	v10 =	vld.idx.msk [tilespmem:v7+s9+$0x0], $0xffff  }
0x56: {  	v5 =	vadd.f32 v9, v9;
	v12 =	vld.idx.msk [tilespmem:v12+s2+$0x0], $0xffff  }
0x57: {  	v13 =	vld.idx.msk [tilespmem:v13+s9+$0x0], $0xffff  }
0x58: {  	v2 =	vmul.f32 v2, v5;
	v14 =	vld.idx.msk [tilespmem:v6+s2+$0x0], $0xffff;
	v6 =	vadd.f32 v3, v3  }
0x59: {  	v9 =	vadd.f32 v1, v3;
	v5 =	vld.idx.msk [tilespmem:v11+s2+$0x0], $0xffff;
	v7 =	vpop (erf)  }
.Ltmp0:
0x5a: {  	v1 =	vmul.f32 v1, v6;
	v6 =	vadd.f32 v8, v8;
	v3 =	vld.idx.msk [tilespmem:v4+s9+$0x0], $0xffff;
	v4 =	vmul.f32 v7, v2;
	(pc) =	sbr.rel @p0 .LBB2_2-.Ltmp0, $4  }
0x5b: {  	s17 =	sadd.s32 $0x80, s17;
	v8 =	vadd.f32 v10, v8;
	v7 =	vld.idx.msk [tilespmem:v16+s2+$0x0], $0xffff;
	(erf) = vrcp.f32 v9  }
0x5c: {  	v15 =	vadd.f32 v12, v12;
	v2 =	vmul.f32 v10, v6;
	v6 =	vld.idx.msk [tilespmem:v17+s9+$0x0], $0xffff;
	[tilespmem:s17+$0x30] =	vst v4  }
0x5d: {  	v11 =	vadd.f32 v13, v12;
	v9 =	vld.idx.msk [tilespmem:v18+s2+$0x0], $0xffff;
	(erf) = vrcp.f32 v8  }
0x5e: {  	s19 =	sadd.s32 $0x80, s19;
	v10 =	vadd.f32 v14, v14;
	v12 =	vadd.f32 v0, v14;
	v4 =	vmul.f32 v13, v15;
	v8 =	vld.idx.msk [tilespmem:v19+s9+$0x0], $0xffff  }
0x5f: {  	_ =	sdelay $0x1  }
0x60: {  	(erf) = vrcp.f32 v11;
	v42 =	vadd.f32 v3, v5  }
0x61: {  	(erf) = vrcp.f32 v12;
	v43 =	vadd.f32 v6, v7  }
0x62: {  	(erf) = vrcp.f32 v42;
	v44 =	vadd.f32 v8, v9  }
0x63: {  	(erf) = vrcp.f32 v43  }
0x64: {  	(erf) = vrcp.f32 v44;
	_ =	sdelay $0x2  }
0x65: {  	v45 =	vpop (erf)  }
0x66: {  	v47 =	vadd.f32 v5, v5;
	v1 =	vmul.f32 v45, v1;
	v46 =	vpop (erf)  }
0x67: {  	v0 =	vmul.f32 v0, v10;
	v48 =	vadd.f32 v7, v7;
	v2 =	vmul.f32 v46, v2;
	v49 =	vpop (erf)  }
0x68: {  	v50 =	vmul.f32 v3, v47;
	v51 =	vadd.f32 v9, v9;
	[tilespmem:s17+$0xFFFFFFD0] =	vst v1;
	v52 =	vmul.f32 v49, v4;
	v53 =	vpop (erf)  }
0x69: {  	v54 =	vmul.f32 v6, v48;
	[tilespmem:s17+$0xFFFFFFE0] =	vst v2;
	v0 =	vmul.f32 v53, v0;
	v55 =	vpop (erf)  }
0x6a: {  	v56 =	vmul.f32 v8, v51;
	[tilespmem:s17+$0xFFFFFFF0] =	vst v52;
	v57 =	vmul.f32 v55, v50;
	v58 =	vpop (erf)  }
0x6b: {  	[tilespmem:s17+$0xFFFFFFC0] =	vst v0;
	v59 =	vmul.f32 v58, v54;
	v60 =	vpop (erf)  }
0x6c: {  	[tilespmem:s17+$0x0] =	vst v57;
	v61 =	vmul.f32 v60, v56  }
0x6d: {  	[tilespmem:s17+$0x10] =	vst v59  }
0x6e: {  	[tilespmem:s17+$0x20] =	vst v61  }
0x6f: {  	v0 =	vld [tilespmem:$0x7700]  }
0x70: {  	v1 =	vld [tilespmem:$0x9E80];
	_ =	sdelay $0x6  }
0x71: {  	v0 =	vld.idx.msk [tilespmem:v0+s2+$0x0], $0xffff  }
0x72: {  	v1 =	vld.idx.msk [tilespmem:v1+s9+$0x0], $0xffff;
	_ =	sdelay $0x4  }
0x73: {  	v62 =	vadd.f32 v1, v0;
	_ =	sdelay $0x1  }
0x74: {  	(erf) = vrcp.f32 v62;
	_ =	sdelay $0x5  }
0x75: {  	v0 =	vadd.f32 v0, v0;
	_ =	sdelay $0x1  }
0x76: {  	v0 =	vmul.f32 v1, v0  }
0x77: {  	v63 =	vpop (erf)  }
0x78: {  	s15 =	sadd.s32 $0x1, s15;
	v0 =	vmul.f32 v63, v0  }
0x79: {  	p0 =	sne.s32 s15, s8  }
.Ltmp1:
0x7a: {  	[tilespmem:$0xC600] =	vst v0;
	(pc) =	sbr.rel @p0 .LBB2_1-.Ltmp1, $4  }
0x7b: {  	[hbm4b:s7+s2] =	stream.linear.scatter [tilespmem:s13], [sflag:$0x2], $0x2710, $0x38;
	[tilespmem:$0xC680] =	vst v63  }
0x7c: {  	_ =	swait.ge [sflag:s14], $0x2710  }
0x7d: {  	[sflag:s14] =	ssyncset.done $0x0  }
0x7e: {  	[sflag:s14] =	ssyncadd.s32 $0xFFFFD8F0  }
0x7f: {  	_ =	sfence.sel $0x180000  }
0x80: {  	[bflag:$0x0] =	sbarrier.arrive $0xFFFF  }
0x81: {  	p0 =	sne.s32 s0, $0x0;
	_ =	strace $0x9000004A  }
0x82: {  	s0 =	sadd.s32 @!p0 $0x100000, s1;
	[bflag:$0x2] =	sbarrier.arrive $0xFFFF  }
0x83: {  	[sflag:s0] =	ssyncadd.tile.s32 @!p0 $0x1;
	_ =	shalt  }
.Lfunc_end2:
_tile_overlayer_lowered:
.L_overlay_start_2:
0x84: {  	(tag) =	ssettag $0x2  }
0x85: {  	s0 =	rddreg [dreg:$0x0];
	s2 =	stileid.u32  }
0x86: {  	s1 =	rddreg [dreg:$0x1];
	p0 =	sne.s32 s2, $0x0  }
0x87: {  	s3 =	rddreg [dreg:$0x2];
	[bflag:$0x3] =	sbarrier.arrive $0xFFFF;
	s2 =	simm.s32 @!p0 $0x1C02  }
0x88: {  	[timem:s3], [sflag:s2] =	dma.local @!p0 [hbm:s0], s1  }
0x89: {  	s0 =	simm.s32 @!p0 $0x2  }
0x8a: {  	_ =	swait.ge @!p0 [sflag:s0], s1  }
0x8b: {  	s1 =	ssub.s32 @!p0 $0x0, s1;
	[sflag:s0] =	ssyncset.done @!p0 $0x0  }
0x8c: {  	[sflag:s0] =	ssyncadd.s32 @!p0 s1  }
0x8d: {  	[bflag:$0x3] =	sbarrier.arrive $0xFFFF  }
0x8e: {  	_ =	shalt  }

</sc_bundles>
